<compile_context>
chip_gen: v7x
topology: tpu7x:2x2x1
jax: 0.10.2.dev20260603
libtpu: 0.0.44.dev20260713+nightly
codegen_flags: <defaults>
</compile_context>

<pallas_src>
import functools

import jax
import jax.numpy as jnp
from jax import lax
from jax.experimental import pallas as pl
from jax.experimental.pallas import tpu as pltpu
from jax.experimental.pallas import tpu_sc as plsc

N = 10000
E = 160000
D = 256
H = 128
B = 4096

NC = 2
NS = 16
NW = NC * NS
CH = 128
NCHUNK = E // CH
NJ = NCHUNK // NW
REM = NCHUNK % NW
NPAD = 10240
POS_PER_TILE = NPAD // NS
BP = 6144
DUMP = B
DSPREAD = 2048
APT = BP // NS
BPT = B // NS
MMB = 1000
CB = 1024


_DN = (((1,), (1,)), ((), ()))


def _mm_body(x_ref, w_ref, z1_ref, y2_ref):
    xb = x_ref[...]
    wb = w_ref[...]
    z1_ref[...] = lax.dot_general(xb, wb[:, :D], _DN,
                                  preferred_element_type=jnp.float32)
    y2_ref[...] = lax.dot_general(xb, wb[:, D:], _DN,
                                  preferred_element_type=jnp.float32)


def _combine_body(zb_ref, a0_ref, a1_ref, d0_ref, d1_ref, o_ref):
    deg = jnp.maximum(d0_ref[...] + d1_ref[...], 1.0)
    mean = (a0_ref[...] + a1_ref[...]) / deg[:, None]
    o_ref[...] = jnp.maximum(zb_ref[...] + mean, 0.0)


def _sc_body(src_hbm, dst_hbm, nodes_hbm, y2_hbm, z1_hbm,
             aggb_hbm, degb_hbm, zb_hbm,
             idx_v, dst_v, val_v, pos_v, rows_v, rows2_v, ones_v, zdeg_v,
             deg1_v, sbuf_v, dtmp_v, dbuf_v,
             agg_sp, deg_sp, pos_sp, sem, sg0, sg1, ss0, ss1):
    c = lax.axis_index("c")
    s = lax.axis_index("s")
    w = c * NS + s

    lane = lax.iota(jnp.int32, 16)
    zero16 = jnp.zeros((16,), jnp.float32)
    ones16 = jnp.ones((16,), jnp.float32)
    dump16 = jnp.full((16,), DUMP, jnp.int32)

    def fill_rows(i, carry):
        for j in range(H // 16):
            rows_v[i, pl.ds(j * 16, 16)] = zero16
        return carry

    lax.fori_loop(0, CH, fill_rows, 0)
    for j in range(CH // 16):
        ones_v[pl.ds(j * 16, 16)] = ones16
        zdeg_v[pl.ds(j * 16, 16)] = zero16

    def fill_dump(m, carry):
        g16 = s * POS_PER_TILE + m * 16 + lane
        sbuf_v[pl.ds(m * 16, 16)] = DUMP + (g16 & (DSPREAD - 1))
        return carry

    lax.fori_loop(0, POS_PER_TILE // 16, fill_dump, 0)
    zbase = s * APT
    pltpu.async_copy(sbuf_v.at[pl.ds(0, POS_PER_TILE)],
                     pos_sp.at[pl.ds(s * POS_PER_TILE, POS_PER_TILE)], sem)
    for m in range(APT // CH):
        pltpu.async_copy(rows_v, agg_sp.at[pl.ds(zbase + m * CH, CH)], sem)
        pltpu.async_copy(zdeg_v, deg_sp.at[pl.ds(zbase + m * CH, CH)], sem)
    pltpu.make_async_copy(sbuf_v.at[pl.ds(0, POS_PER_TILE)],
                          pos_sp.at[pl.ds(s * POS_PER_TILE, POS_PER_TILE)],
                          sem).wait()
    for m in range(APT // CH):
        pltpu.make_async_copy(rows_v, agg_sp.at[pl.ds(zbase + m * CH, CH)],
                              sem).wait()
        pltpu.make_async_copy(zdeg_v, deg_sp.at[pl.ds(zbase + m * CH, CH)],
                              sem).wait()
    plsc.subcore_barrier()

    def pos_scatter(h, carry):
        nbase = s * BPT + h * CH
        pltpu.sync_copy(nodes_hbm.at[pl.ds(nbase, CH)], idx_v)
        for k in range(CH // 16):
            val_v[pl.ds(k * 16, 16)] = nbase + k * 16 + lane
        pltpu.sync_copy(val_v, pos_sp.at[idx_v])
        return carry

    lax.fori_loop(0, BPT // CH, pos_scatter, 0)
    plsc.subcore_barrier()

    pltpu.sync_copy(pos_sp, pos_v)

    cb = (w * NJ + jnp.minimum(w, REM)) * CH
    pltpu.sync_copy(src_hbm.at[pl.ds(cb, NJ * CH)], sbuf_v)
    pltpu.sync_copy(dst_hbm.at[pl.ds(cb, NJ * CH)], dtmp_v)

    def gather_rows(la, rbuf, sg):
        pltpu.async_copy(y2_hbm.at[sbuf_v.at[pl.ds(la * CH, CH)]], rbuf, sg)

    def wait_gather(rbuf, sg):
        pltpu.make_async_copy(y2_hbm.at[sbuf_v.at[pl.ds(0, CH)]], rbuf, sg).wait()

    def scatter_rows(la, rbuf, ss):
        pltpu.async_copy(rbuf, agg_sp.at[dbuf_v.at[la]], ss, add=True)
        pltpu.async_copy(ones_v, deg_sp.at[dbuf_v.at[la]], ss, add=True)

    def wait_scatter(rbuf, ss):
        pltpu.make_async_copy(rbuf, agg_sp.at[dbuf_v.at[0]], ss).wait()
        pltpu.make_async_copy(ones_v, deg_sp.at[dbuf_v.at[0]], ss).wait()

    gather_rows(0, rows_v, sg0)

    def trans_body(j, carry):
        for k in range(CH // 16):
            d16 = dtmp_v[pl.ds(j * CH + k * 16, 16)]
            dbuf_v[j, pl.ds(k * 16, 16)] = plsc.load_gather(pos_v, [d16])
        return carry

    lax.fori_loop(0, NJ, trans_body, 0)

    NR = (NJ - 1) // 2

    def edge_round(r, carry):
        @pl.when(r > 0)
        def _():
            wait_scatter(rows2_v, ss1)

        gather_rows(2 * r + 1, rows2_v, sg1)
        wait_gather(rows_v, sg0)
        scatter_rows(2 * r, rows_v, ss0)

        @pl.when(r < NR - 1)
        def _():
            wait_scatter(rows_v, ss0)
            gather_rows(2 * r + 2, rows_v, sg0)

        wait_gather(rows2_v, sg1)
        scatter_rows(2 * r + 1, rows2_v, ss1)
        return carry

    lax.fori_loop(0, NR, edge_round, 0)
    wait_scatter(rows_v, ss0)
    wait_scatter(rows2_v, ss1)

    gather_rows(NJ - 1, rows_v, sg0)
    wait_gather(rows_v, sg0)
    scatter_rows(NJ - 1, rows_v, ss0)
    wait_scatter(rows_v, ss0)

    @pl.when(w < REM)
    def _():
        ebase = cb + NJ * CH
        pltpu.sync_copy(src_hbm.at[pl.ds(ebase, CH)], idx_v)
        pltpu.sync_copy(dst_hbm.at[pl.ds(ebase, CH)], dst_v)
        for k in range(CH // 16):
            d16 = dst_v[pl.ds(k * 16, 16)]
            dst_v[pl.ds(k * 16, 16)] = plsc.load_gather(pos_v, [d16])
        pltpu.async_copy(y2_hbm.at[idx_v], rows_v, sg0).wait()
        pltpu.sync_copy(rows_v, agg_sp.at[dst_v], add=True)
        pltpu.sync_copy(ones_v, deg_sp.at[dst_v], add=True)

    plsc.subcore_barrier()

    nbase = s * BPT
    nb2 = w * CH
    pltpu.async_copy(nodes_hbm.at[pl.ds(nbase, BPT)], sbuf_v.at[pl.ds(0, BPT)],
                     sem)
    pltpu.sync_copy(nodes_hbm.at[pl.ds(nb2, CH)], idx_v)
    pltpu.make_async_copy(nodes_hbm.at[pl.ds(nbase, BPT)],
                          sbuf_v.at[pl.ds(0, BPT)], sem).wait()
    for h in range(BPT // CH):
        for k in range(CH // 16):
            n16 = sbuf_v[pl.ds(h * CH + k * 16, 16)]
            dbuf_v[h, pl.ds(k * 16, 16)] = plsc.load_gather(pos_v, [n16])
    pltpu.async_copy(agg_sp.at[dbuf_v.at[0]], rows_v, sg0)
    pltpu.async_copy(agg_sp.at[dbuf_v.at[1]], rows2_v, sg1)
    pltpu.async_copy(deg_sp.at[dbuf_v.at[0]], deg1_v, ss0)
    pltpu.async_copy(deg_sp.at[dbuf_v.at[1]], zdeg_v, ss1)
    pltpu.make_async_copy(agg_sp.at[dbuf_v.at[0]], rows_v, sg0).wait()
    pltpu.sync_copy(rows_v, aggb_hbm.at[c, pl.ds(nbase, CH)])
    pltpu.async_copy(z1_hbm.at[idx_v], rows_v, sg0)
    pltpu.make_async_copy(agg_sp.at[dbuf_v.at[1]], rows2_v, sg1).wait()
    pltpu.sync_copy(rows2_v, aggb_hbm.at[c, pl.ds(nbase + CH, CH)])
    pltpu.make_async_copy(deg_sp.at[dbuf_v.at[0]], deg1_v, ss0).wait()
    pltpu.sync_copy(deg1_v, degb_hbm.at[c, pl.ds(nbase, CH)])
    pltpu.make_async_copy(deg_sp.at[dbuf_v.at[1]], zdeg_v, ss1).wait()
    pltpu.sync_copy(zdeg_v, degb_hbm.at[c, pl.ds(nbase + CH, CH)])
    pltpu.make_async_copy(z1_hbm.at[idx_v], rows_v, sg0).wait()
    pltpu.sync_copy(rows_v, zb_hbm.at[pl.ds(nb2, CH)])


_sc_segment = functools.partial(
    pl.kernel,
    out_type=(
        jax.ShapeDtypeStruct((NC, B, H), jnp.float32),
        jax.ShapeDtypeStruct((NC, B), jnp.float32),
        jax.ShapeDtypeStruct((B, H), jnp.float32),
    ),
    mesh=plsc.VectorSubcoreMesh(
        core_axis_name="c", subcore_axis_name="s", num_cores=NC, num_subcores=NS
    ),
    compiler_params=pltpu.CompilerParams(needs_layout_passes=False),
    scratch_types=[
        pltpu.VMEM((CH,), jnp.int32),
        pltpu.VMEM((CH,), jnp.int32),
        pltpu.VMEM((CH,), jnp.int32),
        pltpu.VMEM((NPAD,), jnp.int32),
        pltpu.VMEM((CH, H), jnp.float32),
        pltpu.VMEM((CH, H), jnp.float32),
        pltpu.VMEM((CH,), jnp.float32),
        pltpu.VMEM((CH,), jnp.float32),
        pltpu.VMEM((CH,), jnp.float32),
        pltpu.VMEM((NJ * CH,), jnp.int32),
        pltpu.VMEM((NJ * CH,), jnp.int32),
        pltpu.VMEM((NJ, CH), jnp.int32),
        pltpu.VMEM_SHARED((BP, H), jnp.float32),
        pltpu.VMEM_SHARED((BP,), jnp.float32),
        pltpu.VMEM_SHARED((NPAD,), jnp.int32),
        pltpu.SemaphoreType.DMA,
        pltpu.SemaphoreType.DMA,
        pltpu.SemaphoreType.DMA,
        pltpu.SemaphoreType.DMA,
        pltpu.SemaphoreType.DMA,
    ],
)(_sc_body)


_mm_call = pl.pallas_call(
    _mm_body,
    grid=(N // MMB,),
    in_specs=[
        pl.BlockSpec((MMB, D), lambda i: (i, 0)),
        pl.BlockSpec((H, 2 * D), lambda i: (0, 0)),
    ],
    out_specs=[
        pl.BlockSpec((MMB, H), lambda i: (i, 0)),
        pl.BlockSpec((MMB, H), lambda i: (i, 0)),
    ],
    out_shape=[
        jax.ShapeDtypeStruct((N, H), jnp.float32),
        jax.ShapeDtypeStruct((N, H), jnp.float32),
    ],
)

_combine_call = pl.pallas_call(
    _combine_body,
    grid=(B // CB,),
    in_specs=[
        pl.BlockSpec((CB, H), lambda i: (i, 0)),
        pl.BlockSpec((CB, H), lambda i: (i, 0)),
        pl.BlockSpec((CB, H), lambda i: (i, 0)),
        pl.BlockSpec((CB,), lambda i: (i,)),
        pl.BlockSpec((CB,), lambda i: (i,)),
    ],
    out_specs=pl.BlockSpec((CB, H), lambda i: (i, 0)),
    out_shape=jax.ShapeDtypeStruct((B, H), jnp.float32),
)


def kernel(nodes, x, edge_index, W):
    z1, y2 = _mm_call(x, W)
    src = edge_index[0]
    dst = edge_index[1]
    aggb, degb, zb = _sc_segment(src, dst, nodes, y2, z1)
    return _combine_call(zb, aggb[0], aggb[1], degb[0], degb[1])

# --- scband reference (transcript-rebuilt; emitter-appended) ---
"""Pipeline reference for scband-unsupervised-graph-sage-67757404061976 (READ-ONLY COPY).

The authoritative reference and input builder live on the scoring server;
editing this copy changes nothing except your own understanding.
"""

import jax, jax.numpy as jnp
import numpy as np

N = 10000      # num nodes
E = 160000     # num edges
D = 256        # feature dim
EMBED = 128    # encoder embed_dim
B = 4096       # batch of query nodes


def setup_inputs(seed: int = 0) -> dict:
    key = jax.random.key(seed)
    k1, k2, k3, k4 = jax.random.split(key, 4)
    x = jax.random.normal(k1, (N, D), dtype=jnp.float32)
    edge_index = jax.random.randint(k2, (2, E), 0, N, dtype=jnp.int32)
    nodes = jax.random.randint(k3, (B,), 0, N, dtype=jnp.int32)
    # GraphSAGE encoder weight: [embed_dim, 2*feat_dim] (concat(self, neigh_mean))
    W = jax.random.normal(k4, (EMBED, 2 * D), dtype=jnp.float32) * 0.05
    return {"nodes": nodes, "x": x, "edge_index": edge_index, "W": W}


def reference(nodes, x, edge_index, W):
    # UnsupervisedGraphSage.forward(nodes) -> enc(nodes)
    # enc = one-layer GraphSAGE mean-aggregator encoder over the full adjacency:
    #   neigh_mean[v] = mean_{u in N(v)} x[u]
    #   emb = relu(W @ concat(x, neigh_mean).T).T ; return emb[nodes]
    src = edge_index[0]
    dst = edge_index[1]
    msg = jnp.take(x, src, axis=0)                                   # gather  [E, D]
    agg = jax.ops.segment_sum(msg, dst, num_segments=N)              # scatter-add [N, D]
    deg = jax.ops.segment_sum(jnp.ones((E,), jnp.float32), dst, num_segments=N)
    neigh_mean = agg / jnp.clip(deg, 1.0)[:, None]
    h = jnp.concatenate([x, neigh_mean], axis=1)                     # [N, 2D]
    emb = jax.nn.relu(h @ W.T)                                       # [N, EMBED]
    return jnp.take(emb, nodes, axis=0)                              # [B, EMBED]

if __name__ == "__main__":
    import jax
    _d = setup_inputs()
    print(jax.jit(kernel)(*tuple(_d.values())))

</pallas_src>

<mosaic_0001>
#map = affine_map<(d0, d1) -> (0)>
#map1 = affine_map<(d0, d1) -> (0, 0)>
#map2 = affine_map<(d0, d1) -> (0, 0, 0)>
module attributes {stable_mosaic.version = 14 : i64} {
  func.func @_sc_body(%arg0: i32, %arg1: i32, %arg2: memref<160000xi32, #tpu.memory_space<hbm>>, %arg3: memref<160000xi32, #tpu.memory_space<hbm>>, %arg4: memref<4096xi32, #tpu.memory_space<hbm>>, %arg5: memref<10000x128xf32, #tpu.memory_space<hbm>>, %arg6: memref<10000x128xf32, #tpu.memory_space<hbm>>, %arg7: memref<2x4096x128xf32, #tpu.memory_space<hbm>>, %arg8: memref<2x4096xf32, #tpu.memory_space<hbm>>, %arg9: memref<4096x128xf32, #tpu.memory_space<hbm>>, %arg10: memref<128xi32, #tpu.memory_space<vmem>>, %arg11: memref<128xi32, #tpu.memory_space<vmem>>, %arg12: memref<128xi32, #tpu.memory_space<vmem>>, %arg13: memref<10240xi32, #tpu.memory_space<vmem>>, %arg14: memref<128x128xf32, #tpu.memory_space<vmem>>, %arg15: memref<128x128xf32, #tpu.memory_space<vmem>>, %arg16: memref<128xf32, #tpu.memory_space<vmem>>, %arg17: memref<128xf32, #tpu.memory_space<vmem>>, %arg18: memref<128xf32, #tpu.memory_space<vmem>>, %arg19: memref<4992xi32, #tpu.memory_space<vmem>>, %arg20: memref<4992xi32, #tpu.memory_space<vmem>>, %arg21: memref<39x128xi32, #tpu.memory_space<vmem>>, %arg22: memref<6144x128xf32, #tpu.memory_space<vmem_shared>>, %arg23: memref<6144xf32, #tpu.memory_space<vmem_shared>>, %arg24: memref<10240xi32, #tpu.memory_space<vmem_shared>>, %arg25: memref<!tpu.dma_semaphore, #tpu.memory_space<semaphore_mem>>, %arg26: memref<!tpu.dma_semaphore, #tpu.memory_space<semaphore_mem>>, %arg27: memref<!tpu.dma_semaphore, #tpu.memory_space<semaphore_mem>>, %arg28: memref<!tpu.dma_semaphore, #tpu.memory_space<semaphore_mem>>, %arg29: memref<!tpu.dma_semaphore, #tpu.memory_space<semaphore_mem>>) attributes {dimension_semantics = [#tpu.dimension_semantics<core_parallel>, #tpu.dimension_semantics<subcore_parallel>], iteration_bounds = array<i64: 2, 16>, scalar_prefetch = 0 : i64, scratch_operands = 20 : i64, tpu.core_type = #tpu.core_type<sc_vector_subcore>, window_params = [{transform_indices = #map}, {transform_indices = #map}, {transform_indices = #map}, {transform_indices = #map1}, {transform_indices = #map1}, {transform_indices = #map2}, {transform_indices = #map1}, {transform_indices = #map1}]} {
    %mul3A = arith.constant 16 : i32
    %mul3A_0 = arith.muli %arg0, %mul3A : i32
    %add3A = arith.addi %mul3A_0, %arg1 : i32
    %iota3A = tpu.iota {dimensions = array<i32: 0>} : vector<16xi32>
    %broadcast_in_dim3A = arith.constant 0.000000e+00 : f32
    %broadcast_in_dim3A_1 = vector.broadcast %broadcast_in_dim3A : f32 to vector<16xf32>
    %broadcast_in_dim3A_2 = arith.constant 1.000000e+00 : f32
    %broadcast_in_dim3A_3 = vector.broadcast %broadcast_in_dim3A_2 : f32 to vector<16xf32>
    %broadcast_in_dim3A_4 = arith.constant 4096 : i32
    %broadcast_in_dim3A_5 = vector.broadcast %broadcast_in_dim3A_4 : i32 to vector<16xi32>
    %scan3A = arith.constant 0 : i32
    %scan3A_6 = arith.constant 0 : i32
    %scan3A_7 = arith.constant 128 : i32
    %scan3A_8 = arith.addi %scan3A_6, %scan3A_7 : i32
    %scan3A_9 = arith.constant 1 : i32
    scf.for %scan3A_407 = %scan3A_6 to %scan3A_8 step %scan3A_9  : i32 {
      %swap3A_408 = arith.index_cast %scan3A_407 : i32 to index
      %swap3A_409 = arith.constant 0 : index
      %swap3A_410 = tpu.vector_load %arg14[%swap3A_408, %swap3A_409] {strides = array<i32>} : memref<128x128xf32, #tpu.memory_space<vmem>>, vector<16xf32>,
      tpu.vector_store %arg14[%swap3A_408, %swap3A_409], %broadcast_in_dim3A_1 {strides = array<i32>} : memref<128x128xf32, #tpu.memory_space<vmem>>, vector<16xf32>,
      %swap3A_411 = arith.index_cast %scan3A_407 : i32 to index
      %swap3A_412 = arith.constant 16 : index
      %swap3A_413 = tpu.vector_load %arg14[%swap3A_411, %swap3A_412] {strides = array<i32>} : memref<128x128xf32, #tpu.memory_space<vmem>>, vector<16xf32>,
      tpu.vector_store %arg14[%swap3A_411, %swap3A_412], %broadcast_in_dim3A_1 {strides = array<i32>} : memref<128x128xf32, #tpu.memory_space<vmem>>, vector<16xf32>,
      %swap3A_414 = arith.index_cast %scan3A_407 : i32 to index
      %swap3A_415 = arith.constant 32 : index
      %swap3A_416 = tpu.vector_load %arg14[%swap3A_414, %swap3A_415] {strides = array<i32>} : memref<128x128xf32, #tpu.memory_space<vmem>>, vector<16xf32>,
      tpu.vector_store %arg14[%swap3A_414, %swap3A_415], %broadcast_in_dim3A_1 {strides = array<i32>} : memref<128x128xf32, #tpu.memory_space<vmem>>, vector<16xf32>,
      %swap3A_417 = arith.index_cast %scan3A_407 : i32 to index
      %swap3A_418 = arith.constant 48 : index
      %swap3A_419 = tpu.vector_load %arg14[%swap3A_417, %swap3A_418] {strides = array<i32>} : memref<128x128xf32, #tpu.memory_space<vmem>>, vector<16xf32>,
      tpu.vector_store %arg14[%swap3A_417, %swap3A_418], %broadcast_in_dim3A_1 {strides = array<i32>} : memref<128x128xf32, #tpu.memory_space<vmem>>, vector<16xf32>,
      %swap3A_420 = arith.index_cast %scan3A_407 : i32 to index
      %swap3A_421 = arith.constant 64 : index
      %swap3A_422 = tpu.vector_load %arg14[%swap3A_420, %swap3A_421] {strides = array<i32>} : memref<128x128xf32, #tpu.memory_space<vmem>>, vector<16xf32>,
      tpu.vector_store %arg14[%swap3A_420, %swap3A_421], %broadcast_in_dim3A_1 {strides = array<i32>} : memref<128x128xf32, #tpu.memory_space<vmem>>, vector<16xf32>,
      %swap3A_423 = arith.index_cast %scan3A_407 : i32 to index
      %swap3A_424 = arith.constant 80 : index
      %swap3A_425 = tpu.vector_load %arg14[%swap3A_423, %swap3A_424] {strides = array<i32>} : memref<128x128xf32, #tpu.memory_space<vmem>>, vector<16xf32>,
      tpu.vector_store %arg14[%swap3A_423, %swap3A_424], %broadcast_in_dim3A_1 {strides = array<i32>} : memref<128x128xf32, #tpu.memory_space<vmem>>, vector<16xf32>,
      %swap3A_426 = arith.index_cast %scan3A_407 : i32 to index
      %swap3A_427 = arith.constant 96 : index
      %swap3A_428 = tpu.vector_load %arg14[%swap3A_426, %swap3A_427] {strides = array<i32>} : memref<128x128xf32, #tpu.memory_space<vmem>>, vector<16xf32>,
      tpu.vector_store %arg14[%swap3A_426, %swap3A_427], %broadcast_in_dim3A_1 {strides = array<i32>} : memref<128x128xf32, #tpu.memory_space<vmem>>, vector<16xf32>,
      %swap3A_429 = arith.index_cast %scan3A_407 : i32 to index
      %swap3A_430 = arith.constant 112 : index
      %swap3A_431 = tpu.vector_load %arg14[%swap3A_429, %swap3A_430] {strides = array<i32>} : memref<128x128xf32, #tpu.memory_space<vmem>>, vector<16xf32>,
      tpu.vector_store %arg14[%swap3A_429, %swap3A_430], %broadcast_in_dim3A_1 {strides = array<i32>} : memref<128x128xf32, #tpu.memory_space<vmem>>, vector<16xf32>,
    }
    %scan3A_10 = arith.constant 128 : i32
    %swap3A = arith.constant 0 : index
    %swap3A_11 = tpu.vector_load %arg16[%swap3A] {strides = array<i32>} : memref<128xf32, #tpu.memory_space<vmem>>, vector<16xf32>,
    tpu.vector_store %arg16[%swap3A], %broadcast_in_dim3A_3 {strides = array<i32>} : memref<128xf32, #tpu.memory_space<vmem>>, vector<16xf32>,
    %swap3A_12 = arith.constant 0 : index
    %swap3A_13 = tpu.vector_load %arg17[%swap3A_12] {strides = array<i32>} : memref<128xf32, #tpu.memory_space<vmem>>, vector<16xf32>,
    tpu.vector_store %arg17[%swap3A_12], %broadcast_in_dim3A_1 {strides = array<i32>} : memref<128xf32, #tpu.memory_space<vmem>>, vector<16xf32>,
    %swap3A_14 = arith.constant 16 : index
    %swap3A_15 = tpu.vector_load %arg16[%swap3A_14] {strides = array<i32>} : memref<128xf32, #tpu.memory_space<vmem>>, vector<16xf32>,
    tpu.vector_store %arg16[%swap3A_14], %broadcast_in_dim3A_3 {strides = array<i32>} : memref<128xf32, #tpu.memory_space<vmem>>, vector<16xf32>,
    %swap3A_16 = arith.constant 16 : index
    %swap3A_17 = tpu.vector_load %arg17[%swap3A_16] {strides = array<i32>} : memref<128xf32, #tpu.memory_space<vmem>>, vector<16xf32>,
    tpu.vector_store %arg17[%swap3A_16], %broadcast_in_dim3A_1 {strides = array<i32>} : memref<128xf32, #tpu.memory_space<vmem>>, vector<16xf32>,
    %swap3A_18 = arith.constant 32 : index
    %swap3A_19 = tpu.vector_load %arg16[%swap3A_18] {strides = array<i32>} : memref<128xf32, #tpu.memory_space<vmem>>, vector<16xf32>,
    tpu.vector_store %arg16[%swap3A_18], %broadcast_in_dim3A_3 {strides = array<i32>} : memref<128xf32, #tpu.memory_space<vmem>>, vector<16xf32>,
    %swap3A_20 = arith.constant 32 : index
    %swap3A_21 = tpu.vector_load %arg17[%swap3A_20] {strides = array<i32>} : memref<128xf32, #tpu.memory_space<vmem>>, vector<16xf32>,
    tpu.vector_store %arg17[%swap3A_20], %broadcast_in_dim3A_1 {strides = array<i32>} : memref<128xf32, #tpu.memory_space<vmem>>, vector<16xf32>,
    %swap3A_22 = arith.constant 48 : index
    %swap3A_23 = tpu.vector_load %arg16[%swap3A_22] {strides = array<i32>} : memref<128xf32, #tpu.memory_space<vmem>>, vector<16xf32>,
    tpu.vector_store %arg16[%swap3A_22], %broadcast_in_dim3A_3 {strides = array<i32>} : memref<128xf32, #tpu.memory_space<vmem>>, vector<16xf32>,
    %swap3A_24 = arith.constant 48 : index
    %swap3A_25 = tpu.vector_load %arg17[%swap3A_24] {strides = array<i32>} : memref<128xf32, #tpu.memory_space<vmem>>, vector<16xf32>,
    tpu.vector_store %arg17[%swap3A_24], %broadcast_in_dim3A_1 {strides = array<i32>} : memref<128xf32, #tpu.memory_space<vmem>>, vector<16xf32>,
    %swap3A_26 = arith.constant 64 : index
    %swap3A_27 = tpu.vector_load %arg16[%swap3A_26] {strides = array<i32>} : memref<128xf32, #tpu.memory_space<vmem>>, vector<16xf32>,
    tpu.vector_store %arg16[%swap3A_26], %broadcast_in_dim3A_3 {strides = array<i32>} : memref<128xf32, #tpu.memory_space<vmem>>, vector<16xf32>,
    %swap3A_28 = arith.constant 64 : index
    %swap3A_29 = tpu.vector_load %arg17[%swap3A_28] {strides = array<i32>} : memref<128xf32, #tpu.memory_space<vmem>>, vector<16xf32>,
    tpu.vector_store %arg17[%swap3A_28], %broadcast_in_dim3A_1 {strides = array<i32>} : memref<128xf32, #tpu.memory_space<vmem>>, vector<16xf32>,
    %swap3A_30 = arith.constant 80 : index
    %swap3A_31 = tpu.vector_load %arg16[%swap3A_30] {strides = array<i32>} : memref<128xf32, #tpu.memory_space<vmem>>, vector<16xf32>,
    tpu.vector_store %arg16[%swap3A_30], %broadcast_in_dim3A_3 {strides = array<i32>} : memref<128xf32, #tpu.memory_space<vmem>>, vector<16xf32>,
    %swap3A_32 = arith.constant 80 : index
    %swap3A_33 = tpu.vector_load %arg17[%swap3A_32] {strides = array<i32>} : memref<128xf32, #tpu.memory_space<vmem>>, vector<16xf32>,
    tpu.vector_store %arg17[%swap3A_32], %broadcast_in_dim3A_1 {strides = array<i32>} : memref<128xf32, #tpu.memory_space<vmem>>, vector<16xf32>,
    %swap3A_34 = arith.constant 96 : index
    %swap3A_35 = tpu.vector_load %arg16[%swap3A_34] {strides = array<i32>} : memref<128xf32, #tpu.memory_space<vmem>>, vector<16xf32>,
    tpu.vector_store %arg16[%swap3A_34], %broadcast_in_dim3A_3 {strides = array<i32>} : memref<128xf32, #tpu.memory_space<vmem>>, vector<16xf32>,
    %swap3A_36 = arith.constant 96 : index
    %swap3A_37 = tpu.vector_load %arg17[%swap3A_36] {strides = array<i32>} : memref<128xf32, #tpu.memory_space<vmem>>, vector<16xf32>,
    tpu.vector_store %arg17[%swap3A_36], %broadcast_in_dim3A_1 {strides = array<i32>} : memref<128xf32, #tpu.memory_space<vmem>>, vector<16xf32>,
    %swap3A_38 = arith.constant 112 : index
    %swap3A_39 = tpu.vector_load %arg16[%swap3A_38] {strides = array<i32>} : memref<128xf32, #tpu.memory_space<vmem>>, vector<16xf32>,
    tpu.vector_store %arg16[%swap3A_38], %broadcast_in_dim3A_3 {strides = array<i32>} : memref<128xf32, #tpu.memory_space<vmem>>, vector<16xf32>,
    %swap3A_40 = arith.constant 112 : index
    %swap3A_41 = tpu.vector_load %arg17[%swap3A_40] {strides = array<i32>} : memref<128xf32, #tpu.memory_space<vmem>>, vector<16xf32>,
    tpu.vector_store %arg17[%swap3A_40], %broadcast_in_dim3A_1 {strides = array<i32>} : memref<128xf32, #tpu.memory_space<vmem>>, vector<16xf32>,
    %scan3A_42 = arith.constant 0 : i32
    %scan3A_43 = arith.constant 0 : i32
    %scan3A_44 = arith.constant 40 : i32
    %scan3A_45 = arith.addi %scan3A_43, %scan3A_44 : i32
    %scan3A_46 = arith.constant 1 : i32
    scf.for %scan3A_407 = %scan3A_43 to %scan3A_45 step %scan3A_46  : i32 {
      %mul3A_408 = arith.constant 640 : i32
      %mul3A_409 = arith.muli %arg1, %mul3A_408 : i32
      %mul3A_410 = arith.constant 16 : i32
      %mul3A_411 = arith.muli %scan3A_407, %mul3A_410 : i32
      %add3A_412 = arith.addi %mul3A_409, %mul3A_411 : i32
      %add3A_413 = vector.broadcast %add3A_412 : i32 to vector<16xi32>
      %add3A_414 = arith.addi %add3A_413, %iota3A : vector<16xi32>
      %and3A = arith.constant 2047 : i32
      %and3A_415 = vector.broadcast %and3A : i32 to vector<16xi32>
      %and3A_416 = arith.andi %add3A_414, %and3A_415 : vector<16xi32>
      %add3A_417 = arith.constant 4096 : i32
      %add3A_418 = vector.broadcast %add3A_417 : i32 to vector<16xi32>
      %add3A_419 = arith.addi %add3A_418, %and3A_416 : vector<16xi32>
      %mul3A_420 = arith.constant 16 : i32
      %mul3A_421 = arith.muli %scan3A_407, %mul3A_420 : i32
      %swap3A_422 = arith.index_cast %mul3A_421 : i32 to index
      %swap3A_423 = tpu.vector_load %arg19[%swap3A_422] {strides = array<i32>} : memref<4992xi32, #tpu.memory_space<vmem>>, vector<16xi32>,
      tpu.vector_store %arg19[%swap3A_422], %add3A_419 {strides = array<i32>} : memref<4992xi32, #tpu.memory_space<vmem>>, vector<16xi32>,
    }
    %scan3A_47 = arith.constant 40 : i32
    %mul3A_48 = arith.constant 384 : i32
    %mul3A_49 = arith.muli %arg1, %mul3A_48 : i32
    %mul3A_50 = arith.constant 640 : i32
    %mul3A_51 = arith.muli %arg1, %mul3A_50 : i32
    %dma_start3A = arith.constant 0 : i32
    %dma_start3A_52 = tpu.memref_slice %arg19[%dma_start3A] : memref<4992xi32, #tpu.memory_space<vmem>> -> memref<640xi32, #tpu.memory_space<vmem>>
    %dma_start3A_53 = tpu.memref_slice %arg24[%mul3A_51] : memref<10240xi32, #tpu.memory_space<vmem_shared>> -> memref<640xi32, #tpu.memory_space<vmem_shared>>
    %dma_start3A_54 = tpu.memref_slice %arg24[%mul3A_51] : memref<10240xi32, #tpu.memory_space<vmem_shared>> -> memref<640xi32, #tpu.memory_space<vmem_shared>>
    %dma_start3A_55 = arith.constant 0 : i32
    %dma_start3A_56 = tpu.memref_slice %arg19[%dma_start3A_55] : memref<4992xi32, #tpu.memory_space<vmem>> -> memref<640xi32, #tpu.memory_space<vmem>>
    tpu.enqueue_dma source(%dma_start3A_56 : memref<640xi32, #tpu.memory_space<vmem>>) target(%dma_start3A_54 : memref<640xi32, #tpu.memory_space<vmem_shared>>) target_semaphore(%arg25 : memref<!tpu.dma_semaphore, #tpu.memory_space<semaphore_mem>>)
    %add3A_57 = arith.constant 0 : i32
    %add3A_58 = arith.addi %mul3A_49, %add3A_57 : i32
    %dma_start3A_59 = arith.constant 0 : i32
    %dma_start3A_60 = tpu.memref_slice %arg22[%add3A_58, %dma_start3A_59] : memref<6144x128xf32, #tpu.memory_space<vmem_shared>> -> memref<128x128xf32, #tpu.memory_space<vmem_shared>>
    %dma_start3A_61 = arith.constant 0 : i32
    %dma_start3A_62 = tpu.memref_slice %arg22[%add3A_58, %dma_start3A_61] : memref<6144x128xf32, #tpu.memory_space<vmem_shared>> -> memref<128x128xf32, #tpu.memory_space<vmem_shared>>
    tpu.enqueue_dma source(%arg14 : memref<128x128xf32, #tpu.memory_space<vmem>>) target(%dma_start3A_62 : memref<128x128xf32, #tpu.memory_space<vmem_shared>>) target_semaphore(%arg25 : memref<!tpu.dma_semaphore, #tpu.memory_space<semaphore_mem>>)
    %add3A_63 = arith.constant 0 : i32
    %add3A_64 = arith.addi %mul3A_49, %add3A_63 : i32
    %dma_start3A_65 = tpu.memref_slice %arg23[%add3A_64] : memref<6144xf32, #tpu.memory_space<vmem_shared>> -> memref<128xf32, #tpu.memory_space<vmem_shared>>
    %dma_start3A_66 = tpu.memref_slice %arg23[%add3A_64] : memref<6144xf32, #tpu.memory_space<vmem_shared>> -> memref<128xf32, #tpu.memory_space<vmem_shared>>
    tpu.enqueue_dma source(%arg17 : memref<128xf32, #tpu.memory_space<vmem>>) target(%dma_start3A_66 : memref<128xf32, #tpu.memory_space<vmem_shared>>) target_semaphore(%arg25 : memref<!tpu.dma_semaphore, #tpu.memory_space<semaphore_mem>>)
    %add3A_67 = arith.constant 128 : i32
    %add3A_68 = arith.addi %mul3A_49, %add3A_67 : i32
    %dma_start3A_69 = arith.constant 0 : i32
    %dma_start3A_70 = tpu.memref_slice %arg22[%add3A_68, %dma_start3A_69] : memref<6144x128xf32, #tpu.memory_space<vmem_shared>> -> memref<128x128xf32, #tpu.memory_space<vmem_shared>>
    %dma_start3A_71 = arith.constant 0 : i32
    %dma_start3A_72 = tpu.memref_slice %arg22[%add3A_68, %dma_start3A_71] : memref<6144x128xf32, #tpu.memory_space<vmem_shared>> -> memref<128x128xf32, #tpu.memory_space<vmem_shared>>
    tpu.enqueue_dma source(%arg14 : memref<128x128xf32, #tpu.memory_space<vmem>>) target(%dma_start3A_72 : memref<128x128xf32, #tpu.memory_space<vmem_shared>>) target_semaphore(%arg25 : memref<!tpu.dma_semaphore, #tpu.memory_space<semaphore_mem>>)
    %add3A_73 = arith.constant 128 : i32
    %add3A_74 = arith.addi %mul3A_49, %add3A_73 : i32
    %dma_start3A_75 = tpu.memref_slice %arg23[%add3A_74] : memref<6144xf32, #tpu.memory_space<vmem_shared>> -> memref<128xf32, #tpu.memory_space<vmem_shared>>
    %dma_start3A_76 = tpu.memref_slice %arg23[%add3A_74] : memref<6144xf32, #tpu.memory_space<vmem_shared>> -> memref<128xf32, #tpu.memory_space<vmem_shared>>
    tpu.enqueue_dma source(%arg17 : memref<128xf32, #tpu.memory_space<vmem>>) target(%dma_start3A_76 : memref<128xf32, #tpu.memory_space<vmem_shared>>) target_semaphore(%arg25 : memref<!tpu.dma_semaphore, #tpu.memory_space<semaphore_mem>>)
    %add3A_77 = arith.constant 256 : i32
    %add3A_78 = arith.addi %mul3A_49, %add3A_77 : i32
    %dma_start3A_79 = arith.constant 0 : i32
    %dma_start3A_80 = tpu.memref_slice %arg22[%add3A_78, %dma_start3A_79] : memref<6144x128xf32, #tpu.memory_space<vmem_shared>> -> memref<128x128xf32, #tpu.memory_space<vmem_shared>>
    %dma_start3A_81 = arith.constant 0 : i32
    %dma_start3A_82 = tpu.memref_slice %arg22[%add3A_78, %dma_start3A_81] : memref<6144x128xf32, #tpu.memory_space<vmem_shared>> -> memref<128x128xf32, #tpu.memory_space<vmem_shared>>
    tpu.enqueue_dma source(%arg14 : memref<128x128xf32, #tpu.memory_space<vmem>>) target(%dma_start3A_82 : memref<128x128xf32, #tpu.memory_space<vmem_shared>>) target_semaphore(%arg25 : memref<!tpu.dma_semaphore, #tpu.memory_space<semaphore_mem>>)
    %add3A_83 = arith.constant 256 : i32
    %add3A_84 = arith.addi %mul3A_49, %add3A_83 : i32
    %dma_start3A_85 = tpu.memref_slice %arg23[%add3A_84] : memref<6144xf32, #tpu.memory_space<vmem_shared>> -> memref<128xf32, #tpu.memory_space<vmem_shared>>
    %dma_start3A_86 = tpu.memref_slice %arg23[%add3A_84] : memref<6144xf32, #tpu.memory_space<vmem_shared>> -> memref<128xf32, #tpu.memory_space<vmem_shared>>
    tpu.enqueue_dma source(%arg17 : memref<128xf32, #tpu.memory_space<vmem>>) target(%dma_start3A_86 : memref<128xf32, #tpu.memory_space<vmem_shared>>) target_semaphore(%arg25 : memref<!tpu.dma_semaphore, #tpu.memory_space<semaphore_mem>>)
    %mul3A_87 = arith.constant 640 : i32
    %mul3A_88 = arith.muli %arg1, %mul3A_87 : i32
    %dma_wait3A = arith.constant 0 : i32
    %dma_wait3A_89 = tpu.memref_slice %arg19[%dma_wait3A] : memref<4992xi32, #tpu.memory_space<vmem>> -> memref<640xi32, #tpu.memory_space<vmem>>
    %dma_wait3A_90 = tpu.memref_slice %arg24[%mul3A_88] : memref<10240xi32, #tpu.memory_space<vmem_shared>> -> memref<640xi32, #tpu.memory_space<vmem_shared>>
    %dma_wait3A_91 = tpu.memref_slice %arg24[%mul3A_88] : memref<10240xi32, #tpu.memory_space<vmem_shared>> -> memref<640xi32, #tpu.memory_space<vmem_shared>>
    %dma_wait3A_92 = arith.constant 0 : i32
    %dma_wait3A_93 = tpu.memref_slice %arg19[%dma_wait3A_92] : memref<4992xi32, #tpu.memory_space<vmem>> -> memref<640xi32, #tpu.memory_space<vmem>>
    tpu.wait_dma2 semaphore(%arg25 : memref<!tpu.dma_semaphore, #tpu.memory_space<semaphore_mem>>) src(%dma_wait3A_93 : memref<640xi32, #tpu.memory_space<vmem>>) dst(%dma_wait3A_91 : memref<640xi32, #tpu.memory_space<vmem_shared>>)
    %add3A_94 = arith.constant 0 : i32
    %add3A_95 = arith.addi %mul3A_49, %add3A_94 : i32
    %dma_wait3A_96 = arith.constant 0 : i32
    %dma_wait3A_97 = tpu.memref_slice %arg22[%add3A_95, %dma_wait3A_96] : memref<6144x128xf32, #tpu.memory_space<vmem_shared>> -> memref<128x128xf32, #tpu.memory_space<vmem_shared>>
    %dma_wait3A_98 = arith.constant 0 : i32
    %dma_wait3A_99 = tpu.memref_slice %arg22[%add3A_95, %dma_wait3A_98] : memref<6144x128xf32, #tpu.memory_space<vmem_shared>> -> memref<128x128xf32, #tpu.memory_space<vmem_shared>>
    tpu.wait_dma2 semaphore(%arg25 : memref<!tpu.dma_semaphore, #tpu.memory_space<semaphore_mem>>) src(%arg14 : memref<128x128xf32, #tpu.memory_space<vmem>>) dst(%dma_wait3A_99 : memref<128x128xf32, #tpu.memory_space<vmem_shared>>)
    %add3A_100 = arith.constant 0 : i32
    %add3A_101 = arith.addi %mul3A_49, %add3A_100 : i32
    %dma_wait3A_102 = tpu.memref_slice %arg23[%add3A_101] : memref<6144xf32, #tpu.memory_space<vmem_shared>> -> memref<128xf32, #tpu.memory_space<vmem_shared>>
    %dma_wait3A_103 = tpu.memref_slice %arg23[%add3A_101] : memref<6144xf32, #tpu.memory_space<vmem_shared>> -> memref<128xf32, #tpu.memory_space<vmem_shared>>
    tpu.wait_dma2 semaphore(%arg25 : memref<!tpu.dma_semaphore, #tpu.memory_space<semaphore_mem>>) src(%arg17 : memref<128xf32, #tpu.memory_space<vmem>>) dst(%dma_wait3A_103 : memref<128xf32, #tpu.memory_space<vmem_shared>>)
    %add3A_104 = arith.constant 128 : i32
    %add3A_105 = arith.addi %mul3A_49, %add3A_104 : i32
    %dma_wait3A_106 = arith.constant 0 : i32
    %dma_wait3A_107 = tpu.memref_slice %arg22[%add3A_105, %dma_wait3A_106] : memref<6144x128xf32, #tpu.memory_space<vmem_shared>> -> memref<128x128xf32, #tpu.memory_space<vmem_shared>>
    %dma_wait3A_108 = arith.constant 0 : i32
    %dma_wait3A_109 = tpu.memref_slice %arg22[%add3A_105, %dma_wait3A_108] : memref<6144x128xf32, #tpu.memory_space<vmem_shared>> -> memref<128x128xf32, #tpu.memory_space<vmem_shared>>
    tpu.wait_dma2 semaphore(%arg25 : memref<!tpu.dma_semaphore, #tpu.memory_space<semaphore_mem>>) src(%arg14 : memref<128x128xf32, #tpu.memory_space<vmem>>) dst(%dma_wait3A_109 : memref<128x128xf32, #tpu.memory_space<vmem_shared>>)
    %add3A_110 = arith.constant 128 : i32
    %add3A_111 = arith.addi %mul3A_49, %add3A_110 : i32
    %dma_wait3A_112 = tpu.memref_slice %arg23[%add3A_111] : memref<6144xf32, #tpu.memory_space<vmem_shared>> -> memref<128xf32, #tpu.memory_space<vmem_shared>>
    %dma_wait3A_113 = tpu.memref_slice %arg23[%add3A_111] : memref<6144xf32, #tpu.memory_space<vmem_shared>> -> memref<128xf32, #tpu.memory_space<vmem_shared>>
    tpu.wait_dma2 semaphore(%arg25 : memref<!tpu.dma_semaphore, #tpu.memory_space<semaphore_mem>>) src(%arg17 : memref<128xf32, #tpu.memory_space<vmem>>) dst(%dma_wait3A_113 : memref<128xf32, #tpu.memory_space<vmem_shared>>)
    %add3A_114 = arith.constant 256 : i32
    %add3A_115 = arith.addi %mul3A_49, %add3A_114 : i32
    %dma_wait3A_116 = arith.constant 0 : i32
    %dma_wait3A_117 = tpu.memref_slice %arg22[%add3A_115, %dma_wait3A_116] : memref<6144x128xf32, #tpu.memory_space<vmem_shared>> -> memref<128x128xf32, #tpu.memory_space<vmem_shared>>
    %dma_wait3A_118 = arith.constant 0 : i32
    %dma_wait3A_119 = tpu.memref_slice %arg22[%add3A_115, %dma_wait3A_118] : memref<6144x128xf32, #tpu.memory_space<vmem_shared>> -> memref<128x128xf32, #tpu.memory_space<vmem_shared>>
    tpu.wait_dma2 semaphore(%arg25 : memref<!tpu.dma_semaphore, #tpu.memory_space<semaphore_mem>>) src(%arg14 : memref<128x128xf32, #tpu.memory_space<vmem>>) dst(%dma_wait3A_119 : memref<128x128xf32, #tpu.memory_space<vmem_shared>>)
    %add3A_120 = arith.constant 256 : i32
    %add3A_121 = arith.addi %mul3A_49, %add3A_120 : i32
    %dma_wait3A_122 = tpu.memref_slice %arg23[%add3A_121] : memref<6144xf32, #tpu.memory_space<vmem_shared>> -> memref<128xf32, #tpu.memory_space<vmem_shared>>
    %dma_wait3A_123 = tpu.memref_slice %arg23[%add3A_121] : memref<6144xf32, #tpu.memory_space<vmem_shared>> -> memref<128xf32, #tpu.memory_space<vmem_shared>>
    tpu.wait_dma2 semaphore(%arg25 : memref<!tpu.dma_semaphore, #tpu.memory_space<semaphore_mem>>) src(%arg17 : memref<128xf32, #tpu.memory_space<vmem>>) dst(%dma_wait3A_123 : memref<128xf32, #tpu.memory_space<vmem_shared>>)
    %barrier3A = arith.constant 0 : index
    tpu.barrier barrier_id(%barrier3A)
    %scan3A_124 = arith.constant 0 : i32
    %scan3A_125 = arith.constant 0 : i32
    %scan3A_126 = arith.constant 2 : i32
    %scan3A_127 = arith.addi %scan3A_125, %scan3A_126 : i32
    %scan3A_128 = arith.constant 1 : i32
    scf.for %scan3A_407 = %scan3A_125 to %scan3A_127 step %scan3A_128  : i32 {
      %mul3A_408 = arith.constant 256 : i32
      %mul3A_409 = arith.muli %arg1, %mul3A_408 : i32
      %mul3A_410 = arith.constant 128 : i32
      %mul3A_411 = arith.muli %scan3A_407, %mul3A_410 : i32
      %add3A_412 = arith.addi %mul3A_409, %mul3A_411 : i32
      "tpu.region"() ({
        %run_scoped3A = tpu.sem_alloc : memref<!tpu.dma_semaphore, #tpu.memory_space<semaphore_mem>>
        %dma_start3A_461 = tpu.memref_slice %arg4[%add3A_412] : memref<4096xi32, #tpu.memory_space<hbm>> -> memref<128xi32, #tpu.memory_space<hbm>>
        %dma_start3A_462 = tpu.memref_slice %arg4[%add3A_412] : memref<4096xi32, #tpu.memory_space<hbm>> -> memref<128xi32, #tpu.memory_space<hbm>>
        tpu.enqueue_dma source(%dma_start3A_462 : memref<128xi32, #tpu.memory_space<hbm>>) target(%arg10 : memref<128xi32, #tpu.memory_space<vmem>>) target_semaphore(%run_scoped3A : memref<!tpu.dma_semaphore, #tpu.memory_space<semaphore_mem>>)
        %dma_wait3A_463 = tpu.memref_slice %arg4[%add3A_412] : memref<4096xi32, #tpu.memory_space<hbm>> -> memref<128xi32, #tpu.memory_space<hbm>>
        %dma_wait3A_464 = tpu.memref_slice %arg4[%add3A_412] : memref<4096xi32, #tpu.memory_space<hbm>> -> memref<128xi32, #tpu.memory_space<hbm>>
        tpu.wait_dma2 semaphore(%run_scoped3A : memref<!tpu.dma_semaphore, #tpu.memory_space<semaphore_mem>>) src(%dma_wait3A_464 : memref<128xi32, #tpu.memory_space<hbm>>) dst(%arg10 : memref<128xi32, #tpu.memory_space<vmem>>)
        tpu.yield
      }) : () -> ()
      %add3A_413 = arith.constant 0 : i32
      %add3A_414 = arith.addi %add3A_412, %add3A_413 : i32
      %add3A_415 = vector.broadcast %add3A_414 : i32 to vector<16xi32>
      %add3A_416 = arith.addi %add3A_415, %iota3A : vector<16xi32>
      %swap3A_417 = arith.constant 0 : index
      %swap3A_418 = tpu.vector_load %arg12[%swap3A_417] {strides = array<i32>} : memref<128xi32, #tpu.memory_space<vmem>>, vector<16xi32>,
      tpu.vector_store %arg12[%swap3A_417], %add3A_416 {strides = array<i32>} : memref<128xi32, #tpu.memory_space<vmem>>, vector<16xi32>,
      %add3A_419 = arith.constant 16 : i32
      %add3A_420 = arith.addi %add3A_412, %add3A_419 : i32
      %add3A_421 = vector.broadcast %add3A_420 : i32 to vector<16xi32>
      %add3A_422 = arith.addi %add3A_421, %iota3A : vector<16xi32>
      %swap3A_423 = arith.constant 16 : index
      %swap3A_424 = tpu.vector_load %arg12[%swap3A_423] {strides = array<i32>} : memref<128xi32, #tpu.memory_space<vmem>>, vector<16xi32>,
      tpu.vector_store %arg12[%swap3A_423], %add3A_422 {strides = array<i32>} : memref<128xi32, #tpu.memory_space<vmem>>, vector<16xi32>,
      %add3A_425 = arith.constant 32 : i32
      %add3A_426 = arith.addi %add3A_412, %add3A_425 : i32
      %add3A_427 = vector.broadcast %add3A_426 : i32 to vector<16xi32>
      %add3A_428 = arith.addi %add3A_427, %iota3A : vector<16xi32>
      %swap3A_429 = arith.constant 32 : index
      %swap3A_430 = tpu.vector_load %arg12[%swap3A_429] {strides = array<i32>} : memref<128xi32, #tpu.memory_space<vmem>>, vector<16xi32>,
      tpu.vector_store %arg12[%swap3A_429], %add3A_428 {strides = array<i32>} : memref<128xi32, #tpu.memory_space<vmem>>, vector<16xi32>,
      %add3A_431 = arith.constant 48 : i32
      %add3A_432 = arith.addi %add3A_412, %add3A_431 : i32
      %add3A_433 = vector.broadcast %add3A_432 : i32 to vector<16xi32>
      %add3A_434 = arith.addi %add3A_433, %iota3A : vector<16xi32>
      %swap3A_435 = arith.constant 48 : index
      %swap3A_436 = tpu.vector_load %arg12[%swap3A_435] {strides = array<i32>} : memref<128xi32, #tpu.memory_space<vmem>>, vector<16xi32>,
      tpu.vector_store %arg12[%swap3A_435], %add3A_434 {strides = array<i32>} : memref<128xi32, #tpu.memory_space<vmem>>, vector<16xi32>,
      %add3A_437 = arith.constant 64 : i32
      %add3A_438 = arith.addi %add3A_412, %add3A_437 : i32
      %add3A_439 = vector.broadcast %add3A_438 : i32 to vector<16xi32>
      %add3A_440 = arith.addi %add3A_439, %iota3A : vector<16xi32>
      %swap3A_441 = arith.constant 64 : index
      %swap3A_442 = tpu.vector_load %arg12[%swap3A_441] {strides = array<i32>} : memref<128xi32, #tpu.memory_space<vmem>>, vector<16xi32>,
      tpu.vector_store %arg12[%swap3A_441], %add3A_440 {strides = array<i32>} : memref<128xi32, #tpu.memory_space<vmem>>, vector<16xi32>,
      %add3A_443 = arith.constant 80 : i32
      %add3A_444 = arith.addi %add3A_412, %add3A_443 : i32
      %add3A_445 = vector.broadcast %add3A_444 : i32 to vector<16xi32>
      %add3A_446 = arith.addi %add3A_445, %iota3A : vector<16xi32>
      %swap3A_447 = arith.constant 80 : index
      %swap3A_448 = tpu.vector_load %arg12[%swap3A_447] {strides = array<i32>} : memref<128xi32, #tpu.memory_space<vmem>>, vector<16xi32>,
      tpu.vector_store %arg12[%swap3A_447], %add3A_446 {strides = array<i32>} : memref<128xi32, #tpu.memory_space<vmem>>, vector<16xi32>,
      %add3A_449 = arith.constant 96 : i32
      %add3A_450 = arith.addi %add3A_412, %add3A_449 : i32
      %add3A_451 = vector.broadcast %add3A_450 : i32 to vector<16xi32>
      %add3A_452 = arith.addi %add3A_451, %iota3A : vector<16xi32>
      %swap3A_453 = arith.constant 96 : index
      %swap3A_454 = tpu.vector_load %arg12[%swap3A_453] {strides = array<i32>} : memref<128xi32, #tpu.memory_space<vmem>>, vector<16xi32>,
      tpu.vector_store %arg12[%swap3A_453], %add3A_452 {strides = array<i32>} : memref<128xi32, #tpu.memory_space<vmem>>, vector<16xi32>,
      %add3A_455 = arith.constant 112 : i32
      %add3A_456 = arith.addi %add3A_412, %add3A_455 : i32
      %add3A_457 = vector.broadcast %add3A_456 : i32 to vector<16xi32>
      %add3A_458 = arith.addi %add3A_457, %iota3A : vector<16xi32>
      %swap3A_459 = arith.constant 112 : index
      %swap3A_460 = tpu.vector_load %arg12[%swap3A_459] {strides = array<i32>} : memref<128xi32, #tpu.memory_space<vmem>>, vector<16xi32>,
      tpu.vector_store %arg12[%swap3A_459], %add3A_458 {strides = array<i32>} : memref<128xi32, #tpu.memory_space<vmem>>, vector<16xi32>,
      "tpu.region"() ({
        %run_scoped3A = tpu.sem_alloc : memref<!tpu.dma_semaphore, #tpu.memory_space<semaphore_mem>>
        %dma_start3A_461 = arith.constant 0 : i32
        %dma_start3A_462 = tpu.memref_slice %arg24[%dma_start3A_461] : memref<10240xi32, #tpu.memory_space<vmem_shared>> -> memref<10240xi32, #tpu.memory_space<vmem_shared>>
        tpu.enqueue_indirect_dma source(%arg12 : memref<128xi32, #tpu.memory_space<vmem>>) target(%dma_start3A_462 : memref<10240xi32, #tpu.memory_space<vmem_shared>>) offsets(%arg10 : memref<128xi32, #tpu.memory_space<vmem>>) semaphore(%run_scoped3A : memref<!tpu.dma_semaphore, #tpu.memory_space<semaphore_mem>>)
        %dma_wait3A_463 = arith.constant 0 : i32
        %dma_wait3A_464 = tpu.memref_slice %arg24[%dma_wait3A_463] : memref<10240xi32, #tpu.memory_space<vmem_shared>> -> memref<10240xi32, #tpu.memory_space<vmem_shared>>
        tpu.wait_indirect_dma semaphore(%run_scoped3A : memref<!tpu.dma_semaphore, #tpu.memory_space<semaphore_mem>>) src(%arg12 : memref<128xi32, #tpu.memory_space<vmem>>) dst(%dma_wait3A_464 : memref<10240xi32, #tpu.memory_space<vmem_shared>>)
        tpu.yield
      }) : () -> ()
    }
    %scan3A_129 = arith.constant 2 : i32
    %barrier3A_130 = arith.constant 0 : index
    tpu.barrier barrier_id(%barrier3A_130)
    "tpu.region"() ({
      %run_scoped3A = tpu.sem_alloc : memref<!tpu.dma_semaphore, #tpu.memory_space<semaphore_mem>>
      tpu.enqueue_dma source(%arg24 : memref<10240xi32, #tpu.memory_space<vmem_shared>>) target(%arg13 : memref<10240xi32, #tpu.memory_space<vmem>>) target_semaphore(%run_scoped3A : memref<!tpu.dma_semaphore, #tpu.memory_space<semaphore_mem>>)
      tpu.wait_dma2 semaphore(%run_scoped3A : memref<!tpu.dma_semaphore, #tpu.memory_space<semaphore_mem>>) src(%arg24 : memref<10240xi32, #tpu.memory_space<vmem_shared>>) dst(%arg13 : memref<10240xi32, #tpu.memory_space<vmem>>)
      tpu.yield
    }) : () -> ()
    %mul3A_131 = arith.constant 39 : i32
    %mul3A_132 = arith.muli %add3A, %mul3A_131 : i32
    %min3A = arith.constant 2 : i32
    %min3A_133 = arith.minsi %add3A, %min3A : i32
    %add3A_134 = arith.addi %mul3A_132, %min3A_133 : i32
    %mul3A_135 = arith.constant 128 : i32
    %mul3A_136 = arith.muli %add3A_134, %mul3A_135 : i32
    "tpu.region"() ({
      %run_scoped3A = tpu.sem_alloc : memref<!tpu.dma_semaphore, #tpu.memory_space<semaphore_mem>>
      %dma_start3A_407 = tpu.memref_slice %arg2[%mul3A_136] : memref<160000xi32, #tpu.memory_space<hbm>> -> memref<4992xi32, #tpu.memory_space<hbm>>
      %dma_start3A_408 = tpu.memref_slice %arg2[%mul3A_136] : memref<160000xi32, #tpu.memory_space<hbm>> -> memref<4992xi32, #tpu.memory_space<hbm>>
      tpu.enqueue_dma source(%dma_start3A_408 : memref<4992xi32, #tpu.memory_space<hbm>>) target(%arg19 : memref<4992xi32, #tpu.memory_space<vmem>>) target_semaphore(%run_scoped3A : memref<!tpu.dma_semaphore, #tpu.memory_space<semaphore_mem>>)
      %dma_wait3A_409 = tpu.memref_slice %arg2[%mul3A_136] : memref<160000xi32, #tpu.memory_space<hbm>> -> memref<4992xi32, #tpu.memory_space<hbm>>
      %dma_wait3A_410 = tpu.memref_slice %arg2[%mul3A_136] : memref<160000xi32, #tpu.memory_space<hbm>> -> memref<4992xi32, #tpu.memory_space<hbm>>
      tpu.wait_dma2 semaphore(%run_scoped3A : memref<!tpu.dma_semaphore, #tpu.memory_space<semaphore_mem>>) src(%dma_wait3A_410 : memref<4992xi32, #tpu.memory_space<hbm>>) dst(%arg19 : memref<4992xi32, #tpu.memory_space<vmem>>)
      tpu.yield
    }) : () -> ()
    "tpu.region"() ({
      %run_scoped3A = tpu.sem_alloc : memref<!tpu.dma_semaphore, #tpu.memory_space<semaphore_mem>>
      %dma_start3A_407 = tpu.memref_slice %arg3[%mul3A_136] : memref<160000xi32, #tpu.memory_space<hbm>> -> memref<4992xi32, #tpu.memory_space<hbm>>
      %dma_start3A_408 = tpu.memref_slice %arg3[%mul3A_136] : memref<160000xi32, #tpu.memory_space<hbm>> -> memref<4992xi32, #tpu.memory_space<hbm>>
      tpu.enqueue_dma source(%dma_start3A_408 : memref<4992xi32, #tpu.memory_space<hbm>>) target(%arg20 : memref<4992xi32, #tpu.memory_space<vmem>>) target_semaphore(%run_scoped3A : memref<!tpu.dma_semaphore, #tpu.memory_space<semaphore_mem>>)
      %dma_wait3A_409 = tpu.memref_slice %arg3[%mul3A_136] : memref<160000xi32, #tpu.memory_space<hbm>> -> memref<4992xi32, #tpu.memory_space<hbm>>
      %dma_wait3A_410 = tpu.memref_slice %arg3[%mul3A_136] : memref<160000xi32, #tpu.memory_space<hbm>> -> memref<4992xi32, #tpu.memory_space<hbm>>
      tpu.wait_dma2 semaphore(%run_scoped3A : memref<!tpu.dma_semaphore, #tpu.memory_space<semaphore_mem>>) src(%dma_wait3A_410 : memref<4992xi32, #tpu.memory_space<hbm>>) dst(%arg20 : memref<4992xi32, #tpu.memory_space<vmem>>)
      tpu.yield
    }) : () -> ()
    %dma_start3A_137 = arith.constant 0 : i32
    %dma_start3A_138 = tpu.memref_slice %arg19[%dma_start3A_137] : memref<4992xi32, #tpu.memory_space<vmem>> -> memref<128xi32, #tpu.memory_space<vmem>>
    %dma_start3A_139 = arith.constant 0 : i32
    %dma_start3A_140 = arith.constant 0 : i32
    %dma_start3A_141 = tpu.memref_slice %arg5[%dma_start3A_139, %dma_start3A_140] : memref<10000x128xf32, #tpu.memory_space<hbm>> -> memref<10000x128xf32, #tpu.memory_space<hbm>>
    tpu.enqueue_indirect_dma source(%dma_start3A_141 : memref<10000x128xf32, #tpu.memory_space<hbm>>) target(%arg14 : memref<128x128xf32, #tpu.memory_space<vmem>>) offsets(%dma_start3A_138 : memref<128xi32, #tpu.memory_space<vmem>>) semaphore(%arg26 : memref<!tpu.dma_semaphore, #tpu.memory_space<semaphore_mem>>)
    %scan3A_142 = arith.constant 0 : i32
    %scan3A_143 = arith.constant 0 : i32
    %scan3A_144 = arith.constant 39 : i32
    %scan3A_145 = arith.addi %scan3A_143, %scan3A_144 : i32
    %scan3A_146 = arith.constant 1 : i32
    scf.for %scan3A_407 = %scan3A_143 to %scan3A_145 step %scan3A_146  : i32 {
      %mul3A_408 = arith.constant 128 : i32
      %mul3A_409 = arith.muli %scan3A_407, %mul3A_408 : i32
      %add3A_410 = arith.constant 0 : i32
      %add3A_411 = arith.addi %mul3A_409, %add3A_410 : i32
      %get3A_412 = arith.index_cast %add3A_411 : i32 to index
      %get3A_413 = tpu.vector_load %arg20[%get3A_412] {strides = array<i32>} : memref<4992xi32, #tpu.memory_space<vmem>>, vector<16xi32>,
      %gather3A_414 = tpu.vector_load_idx %arg13[%get3A_413] : memref<10240xi32, #tpu.memory_space<vmem>>[vector<16xi32>], vector<16xi32>,
      %swap3A_415 = arith.index_cast %scan3A_407 : i32 to index
      %swap3A_416 = arith.constant 0 : index
      %swap3A_417 = tpu.vector_load %arg21[%swap3A_415, %swap3A_416] {strides = array<i32>} : memref<39x128xi32, #tpu.memory_space<vmem>>, vector<16xi32>,
      tpu.vector_store %arg21[%swap3A_415, %swap3A_416], %gather3A_414 {strides = array<i32>} : memref<39x128xi32, #tpu.memory_space<vmem>>, vector<16xi32>,
      %mul3A_418 = arith.constant 128 : i32
      %mul3A_419 = arith.muli %scan3A_407, %mul3A_418 : i32
      %add3A_420 = arith.constant 16 : i32
      %add3A_421 = arith.addi %mul3A_419, %add3A_420 : i32
      %get3A_422 = arith.index_cast %add3A_421 : i32 to index
      %get3A_423 = tpu.vector_load %arg20[%get3A_422] {strides = array<i32>} : memref<4992xi32, #tpu.memory_space<vmem>>, vector<16xi32>,
      %gather3A_424 = tpu.vector_load_idx %arg13[%get3A_423] : memref<10240xi32, #tpu.memory_space<vmem>>[vector<16xi32>], vector<16xi32>,
      %swap3A_425 = arith.index_cast %scan3A_407 : i32 to index
      %swap3A_426 = arith.constant 16 : index
      %swap3A_427 = tpu.vector_load %arg21[%swap3A_425, %swap3A_426] {strides = array<i32>} : memref<39x128xi32, #tpu.memory_space<vmem>>, vector<16xi32>,
      tpu.vector_store %arg21[%swap3A_425, %swap3A_426], %gather3A_424 {strides = array<i32>} : memref<39x128xi32, #tpu.memory_space<vmem>>, vector<16xi32>,
      %mul3A_428 = arith.constant 128 : i32
      %mul3A_429 = arith.muli %scan3A_407, %mul3A_428 : i32
      %add3A_430 = arith.constant 32 : i32
      %add3A_431 = arith.addi %mul3A_429, %add3A_430 : i32
      %get3A_432 = arith.index_cast %add3A_431 : i32 to index
      %get3A_433 = tpu.vector_load %arg20[%get3A_432] {strides = array<i32>} : memref<4992xi32, #tpu.memory_space<vmem>>, vector<16xi32>,
      %gather3A_434 = tpu.vector_load_idx %arg13[%get3A_433] : memref<10240xi32, #tpu.memory_space<vmem>>[vector<16xi32>], vector<16xi32>,
      %swap3A_435 = arith.index_cast %scan3A_407 : i32 to index
      %swap3A_436 = arith.constant 32 : index
      %swap3A_437 = tpu.vector_load %arg21[%swap3A_435, %swap3A_436] {strides = array<i32>} : memref<39x128xi32, #tpu.memory_space<vmem>>, vector<16xi32>,
      tpu.vector_store %arg21[%swap3A_435, %swap3A_436], %gather3A_434 {strides = array<i32>} : memref<39x128xi32, #tpu.memory_space<vmem>>, vector<16xi32>,
      %mul3A_438 = arith.constant 128 : i32
      %mul3A_439 = arith.muli %scan3A_407, %mul3A_438 : i32
      %add3A_440 = arith.constant 48 : i32
      %add3A_441 = arith.addi %mul3A_439, %add3A_440 : i32
      %get3A_442 = arith.index_cast %add3A_441 : i32 to index
      %get3A_443 = tpu.vector_load %arg20[%get3A_442] {strides = array<i32>} : memref<4992xi32, #tpu.memory_space<vmem>>, vector<16xi32>,
      %gather3A_444 = tpu.vector_load_idx %arg13[%get3A_443] : memref<10240xi32, #tpu.memory_space<vmem>>[vector<16xi32>], vector<16xi32>,
      %swap3A_445 = arith.index_cast %scan3A_407 : i32 to index
      %swap3A_446 = arith.constant 48 : index
      %swap3A_447 = tpu.vector_load %arg21[%swap3A_445, %swap3A_446] {strides = array<i32>} : memref<39x128xi32, #tpu.memory_space<vmem>>, vector<16xi32>,
      tpu.vector_store %arg21[%swap3A_445, %swap3A_446], %gather3A_444 {strides = array<i32>} : memref<39x128xi32, #tpu.memory_space<vmem>>, vector<16xi32>,
      %mul3A_448 = arith.constant 128 : i32
      %mul3A_449 = arith.muli %scan3A_407, %mul3A_448 : i32
      %add3A_450 = arith.constant 64 : i32
      %add3A_451 = arith.addi %mul3A_449, %add3A_450 : i32
      %get3A_452 = arith.index_cast %add3A_451 : i32 to index
      %get3A_453 = tpu.vector_load %arg20[%get3A_452] {strides = array<i32>} : memref<4992xi32, #tpu.memory_space<vmem>>, vector<16xi32>,
      %gather3A_454 = tpu.vector_load_idx %arg13[%get3A_453] : memref<10240xi32, #tpu.memory_space<vmem>>[vector<16xi32>], vector<16xi32>,
      %swap3A_455 = arith.index_cast %scan3A_407 : i32 to index
      %swap3A_456 = arith.constant 64 : index
      %swap3A_457 = tpu.vector_load %arg21[%swap3A_455, %swap3A_456] {strides = array<i32>} : memref<39x128xi32, #tpu.memory_space<vmem>>, vector<16xi32>,
      tpu.vector_store %arg21[%swap3A_455, %swap3A_456], %gather3A_454 {strides = array<i32>} : memref<39x128xi32, #tpu.memory_space<vmem>>, vector<16xi32>,
      %mul3A_458 = arith.constant 128 : i32
      %mul3A_459 = arith.muli %scan3A_407, %mul3A_458 : i32
      %add3A_460 = arith.constant 80 : i32
      %add3A_461 = arith.addi %mul3A_459, %add3A_460 : i32
      %get3A_462 = arith.index_cast %add3A_461 : i32 to index
      %get3A_463 = tpu.vector_load %arg20[%get3A_462] {strides = array<i32>} : memref<4992xi32, #tpu.memory_space<vmem>>, vector<16xi32>,
      %gather3A_464 = tpu.vector_load_idx %arg13[%get3A_463] : memref<10240xi32, #tpu.memory_space<vmem>>[vector<16xi32>], vector<16xi32>,
      %swap3A_465 = arith.index_cast %scan3A_407 : i32 to index
      %swap3A_466 = arith.constant 80 : index
      %swap3A_467 = tpu.vector_load %arg21[%swap3A_465, %swap3A_466] {strides = array<i32>} : memref<39x128xi32, #tpu.memory_space<vmem>>, vector<16xi32>,
      tpu.vector_store %arg21[%swap3A_465, %swap3A_466], %gather3A_464 {strides = array<i32>} : memref<39x128xi32, #tpu.memory_space<vmem>>, vector<16xi32>,
      %mul3A_468 = arith.constant 128 : i32
      %mul3A_469 = arith.muli %scan3A_407, %mul3A_468 : i32
      %add3A_470 = arith.constant 96 : i32
      %add3A_471 = arith.addi %mul3A_469, %add3A_470 : i32
      %get3A_472 = arith.index_cast %add3A_471 : i32 to index
      %get3A_473 = tpu.vector_load %arg20[%get3A_472] {strides = array<i32>} : memref<4992xi32, #tpu.memory_space<vmem>>, vector<16xi32>,
      %gather3A_474 = tpu.vector_load_idx %arg13[%get3A_473] : memref<10240xi32, #tpu.memory_space<vmem>>[vector<16xi32>], vector<16xi32>,
      %swap3A_475 = arith.index_cast %scan3A_407 : i32 to index
      %swap3A_476 = arith.constant 96 : index
      %swap3A_477 = tpu.vector_load %arg21[%swap3A_475, %swap3A_476] {strides = array<i32>} : memref<39x128xi32, #tpu.memory_space<vmem>>, vector<16xi32>,
      tpu.vector_store %arg21[%swap3A_475, %swap3A_476], %gather3A_474 {strides = array<i32>} : memref<39x128xi32, #tpu.memory_space<vmem>>, vector<16xi32>,
      %mul3A_478 = arith.constant 128 : i32
      %mul3A_479 = arith.muli %scan3A_407, %mul3A_478 : i32
      %add3A_480 = arith.constant 112 : i32
      %add3A_481 = arith.addi %mul3A_479, %add3A_480 : i32
      %get3A_482 = arith.index_cast %add3A_481 : i32 to index
      %get3A_483 = tpu.vector_load %arg20[%get3A_482] {strides = array<i32>} : memref<4992xi32, #tpu.memory_space<vmem>>, vector<16xi32>,
      %gather3A_484 = tpu.vector_load_idx %arg13[%get3A_483] : memref<10240xi32, #tpu.memory_space<vmem>>[vector<16xi32>], vector<16xi32>,
      %swap3A_485 = arith.index_cast %scan3A_407 : i32 to index
      %swap3A_486 = arith.constant 112 : index
      %swap3A_487 = tpu.vector_load %arg21[%swap3A_485, %swap3A_486] {strides = array<i32>} : memref<39x128xi32, #tpu.memory_space<vmem>>, vector<16xi32>,
      tpu.vector_store %arg21[%swap3A_485, %swap3A_486], %gather3A_484 {strides = array<i32>} : memref<39x128xi32, #tpu.memory_space<vmem>>, vector<16xi32>,
    }
    %scan3A_147 = arith.constant 39 : i32
    %scan3A_148 = arith.constant 0 : i32
    %scan3A_149 = arith.constant 0 : i32
    %scan3A_150 = arith.constant 19 : i32
    %scan3A_151 = arith.addi %scan3A_149, %scan3A_150 : i32
    %scan3A_152 = arith.constant 1 : i32
    scf.for %scan3A_407 = %scan3A_149 to %scan3A_151 step %scan3A_152  : i32 {
      %gt3A = arith.constant 0 : i32
      %gt3A_408 = arith.cmpi sgt, %scan3A_407, %gt3A : i32
      %convert_element_type3A_409 = arith.extui %gt3A_408 : i1 to i32
      %cond3A_410 = arith.constant 0 : i32
      %cond3A_411 = arith.cmpi ne, %convert_element_type3A_409, %cond3A_410 : i32
      scf.if %cond3A_411 {
        %dma_wait3A_465 = arith.constant 0 : i32
        %dma_wait3A_466 = arith.constant 0 : i32
        %dma_wait3A_467 = tpu.memref_slice %arg21[%dma_wait3A_465, %dma_wait3A_466] : memref<39x128xi32, #tpu.memory_space<vmem>> -> memref<1x128xi32, #tpu.memory_space<vmem>>
        %dma_wait3A_468 = tpu.memref_squeeze %dma_wait3A_467 : memref<1x128xi32, #tpu.memory_space<vmem>> -> memref<128xi32, #tpu.memory_space<vmem>>
        %dma_wait3A_469 = arith.constant 0 : i32
        %dma_wait3A_470 = arith.constant 0 : i32
        %dma_wait3A_471 = tpu.memref_slice %arg22[%dma_wait3A_469, %dma_wait3A_470] : memref<6144x128xf32, #tpu.memory_space<vmem_shared>> -> memref<6144x128xf32, #tpu.memory_space<vmem_shared>>
        tpu.wait_indirect_dma semaphore(%arg29 : memref<!tpu.dma_semaphore, #tpu.memory_space<semaphore_mem>>) src(%arg15 : memref<128x128xf32, #tpu.memory_space<vmem>>) dst(%dma_wait3A_471 : memref<6144x128xf32, #tpu.memory_space<vmem_shared>>)
        %dma_wait3A_472 = arith.constant 0 : i32
        %dma_wait3A_473 = arith.constant 0 : i32
        %dma_wait3A_474 = tpu.memref_slice %arg21[%dma_wait3A_472, %dma_wait3A_473] : memref<39x128xi32, #tpu.memory_space<vmem>> -> memref<1x128xi32, #tpu.memory_space<vmem>>
        %dma_wait3A_475 = tpu.memref_squeeze %dma_wait3A_474 : memref<1x128xi32, #tpu.memory_space<vmem>> -> memref<128xi32, #tpu.memory_space<vmem>>
        %dma_wait3A_476 = arith.constant 0 : i32
        %dma_wait3A_477 = tpu.memref_slice %arg23[%dma_wait3A_476] : memref<6144xf32, #tpu.memory_space<vmem_shared>> -> memref<6144xf32, #tpu.memory_space<vmem_shared>>
        tpu.wait_indirect_dma semaphore(%arg29 : memref<!tpu.dma_semaphore, #tpu.memory_space<semaphore_mem>>) src(%arg16 : memref<128xf32, #tpu.memory_space<vmem>>) dst(%dma_wait3A_477 : memref<6144xf32, #tpu.memory_space<vmem_shared>>)
      } else {
      }
      %mul3A_412 = arith.constant 2 : i32
      %mul3A_413 = arith.muli %mul3A_412, %scan3A_407 : i32
      %add3A_414 = arith.constant 1 : i32
      %add3A_415 = arith.addi %mul3A_413, %add3A_414 : i32
      %mul3A_416 = arith.constant 128 : i32
      %mul3A_417 = arith.muli %add3A_415, %mul3A_416 : i32
      %dma_start3A_418 = tpu.memref_slice %arg19[%mul3A_417] : memref<4992xi32, #tpu.memory_space<vmem>> -> memref<128xi32, #tpu.memory_space<vmem>>
      %dma_start3A_419 = arith.constant 0 : i32
      %dma_start3A_420 = arith.constant 0 : i32
      %dma_start3A_421 = tpu.memref_slice %arg5[%dma_start3A_419, %dma_start3A_420] : memref<10000x128xf32, #tpu.memory_space<hbm>> -> memref<10000x128xf32, #tpu.memory_space<hbm>>
      tpu.enqueue_indirect_dma source(%dma_start3A_421 : memref<10000x128xf32, #tpu.memory_space<hbm>>) target(%arg15 : memref<128x128xf32, #tpu.memory_space<vmem>>) offsets(%dma_start3A_418 : memref<128xi32, #tpu.memory_space<vmem>>) semaphore(%arg27 : memref<!tpu.dma_semaphore, #tpu.memory_space<semaphore_mem>>)
      %dma_wait3A_422 = arith.constant 0 : i32
      %dma_wait3A_423 = tpu.memref_slice %arg19[%dma_wait3A_422] : memref<4992xi32, #tpu.memory_space<vmem>> -> memref<128xi32, #tpu.memory_space<vmem>>
      %dma_wait3A_424 = arith.constant 0 : i32
      %dma_wait3A_425 = arith.constant 0 : i32
      %dma_wait3A_426 = tpu.memref_slice %arg5[%dma_wait3A_424, %dma_wait3A_425] : memref<10000x128xf32, #tpu.memory_space<hbm>> -> memref<10000x128xf32, #tpu.memory_space<hbm>>
      tpu.wait_indirect_dma semaphore(%arg26 : memref<!tpu.dma_semaphore, #tpu.memory_space<semaphore_mem>>) src(%dma_wait3A_426 : memref<10000x128xf32, #tpu.memory_space<hbm>>) dst(%arg14 : memref<128x128xf32, #tpu.memory_space<vmem>>)
      %mul3A_427 = arith.constant 2 : i32
      %mul3A_428 = arith.muli %mul3A_427, %scan3A_407 : i32
      %dma_start3A_429 = arith.constant 0 : i32
      %dma_start3A_430 = tpu.memref_slice %arg21[%mul3A_428, %dma_start3A_429] : memref<39x128xi32, #tpu.memory_space<vmem>> -> memref<1x128xi32, #tpu.memory_space<vmem>>
      %dma_start3A_431 = tpu.memref_squeeze %dma_start3A_430 : memref<1x128xi32, #tpu.memory_space<vmem>> -> memref<128xi32, #tpu.memory_space<vmem>>
      %dma_start3A_432 = arith.constant 0 : i32
      %dma_start3A_433 = arith.constant 0 : i32
      %dma_start3A_434 = tpu.memref_slice %arg22[%dma_start3A_432, %dma_start3A_433] : memref<6144x128xf32, #tpu.memory_space<vmem_shared>> -> memref<6144x128xf32, #tpu.memory_space<vmem_shared>>
      tpu.enqueue_indirect_dma source(%arg14 : memref<128x128xf32, #tpu.memory_space<vmem>>) target(%dma_start3A_434 : memref<6144x128xf32, #tpu.memory_space<vmem_shared>>) offsets(%dma_start3A_431 : memref<128xi32, #tpu.memory_space<vmem>>) semaphore(%arg28 : memref<!tpu.dma_semaphore, #tpu.memory_space<semaphore_mem>>) {add = true}
      %dma_start3A_435 = arith.constant 0 : i32
      %dma_start3A_436 = tpu.memref_slice %arg21[%mul3A_428, %dma_start3A_435] : memref<39x128xi32, #tpu.memory_space<vmem>> -> memref<1x128xi32, #tpu.memory_space<vmem>>
      %dma_start3A_437 = tpu.memref_squeeze %dma_start3A_436 : memref<1x128xi32, #tpu.memory_space<vmem>> -> memref<128xi32, #tpu.memory_space<vmem>>
      %dma_start3A_438 = arith.constant 0 : i32
      %dma_start3A_439 = tpu.memref_slice %arg23[%dma_start3A_438] : memref<6144xf32, #tpu.memory_space<vmem_shared>> -> memref<6144xf32, #tpu.memory_space<vmem_shared>>
      tpu.enqueue_indirect_dma source(%arg16 : memref<128xf32, #tpu.memory_space<vmem>>) target(%dma_start3A_439 : memref<6144xf32, #tpu.memory_space<vmem_shared>>) offsets(%dma_start3A_437 : memref<128xi32, #tpu.memory_space<vmem>>) semaphore(%arg28 : memref<!tpu.dma_semaphore, #tpu.memory_space<semaphore_mem>>) {add = true}
      %lt3A_440 = arith.constant 18 : i32
      %lt3A_441 = arith.cmpi slt, %scan3A_407, %lt3A_440 : i32
      %convert_element_type3A_442 = arith.extui %lt3A_441 : i1 to i32
      %cond3A_443 = arith.constant 0 : i32
      %cond3A_444 = arith.cmpi ne, %convert_element_type3A_442, %cond3A_443 : i32
      scf.if %cond3A_444 {
        %dma_wait3A_465 = arith.constant 0 : i32
        %dma_wait3A_466 = arith.constant 0 : i32
        %dma_wait3A_467 = tpu.memref_slice %arg21[%dma_wait3A_465, %dma_wait3A_466] : memref<39x128xi32, #tpu.memory_space<vmem>> -> memref<1x128xi32, #tpu.memory_space<vmem>>
        %dma_wait3A_468 = tpu.memref_squeeze %dma_wait3A_467 : memref<1x128xi32, #tpu.memory_space<vmem>> -> memref<128xi32, #tpu.memory_space<vmem>>
        %dma_wait3A_469 = arith.constant 0 : i32
        %dma_wait3A_470 = arith.constant 0 : i32
        %dma_wait3A_471 = tpu.memref_slice %arg22[%dma_wait3A_469, %dma_wait3A_470] : memref<6144x128xf32, #tpu.memory_space<vmem_shared>> -> memref<6144x128xf32, #tpu.memory_space<vmem_shared>>
        tpu.wait_indirect_dma semaphore(%arg28 : memref<!tpu.dma_semaphore, #tpu.memory_space<semaphore_mem>>) src(%arg14 : memref<128x128xf32, #tpu.memory_space<vmem>>) dst(%dma_wait3A_471 : memref<6144x128xf32, #tpu.memory_space<vmem_shared>>)
        %dma_wait3A_472 = arith.constant 0 : i32
        %dma_wait3A_473 = arith.constant 0 : i32
        %dma_wait3A_474 = tpu.memref_slice %arg21[%dma_wait3A_472, %dma_wait3A_473] : memref<39x128xi32, #tpu.memory_space<vmem>> -> memref<1x128xi32, #tpu.memory_space<vmem>>
        %dma_wait3A_475 = tpu.memref_squeeze %dma_wait3A_474 : memref<1x128xi32, #tpu.memory_space<vmem>> -> memref<128xi32, #tpu.memory_space<vmem>>
        %dma_wait3A_476 = arith.constant 0 : i32
        %dma_wait3A_477 = tpu.memref_slice %arg23[%dma_wait3A_476] : memref<6144xf32, #tpu.memory_space<vmem_shared>> -> memref<6144xf32, #tpu.memory_space<vmem_shared>>
        tpu.wait_indirect_dma semaphore(%arg28 : memref<!tpu.dma_semaphore, #tpu.memory_space<semaphore_mem>>) src(%arg16 : memref<128xf32, #tpu.memory_space<vmem>>) dst(%dma_wait3A_477 : memref<6144xf32, #tpu.memory_space<vmem_shared>>)
        %mul3A_478 = arith.constant 2 : i32
        %mul3A_479 = arith.muli %mul3A_478, %scan3A_407 : i32
        %add3A_480 = arith.constant 2 : i32
        %add3A_481 = arith.addi %mul3A_479, %add3A_480 : i32
        %mul3A_482 = arith.constant 128 : i32
        %mul3A_483 = arith.muli %add3A_481, %mul3A_482 : i32
        %dma_start3A_484 = tpu.memref_slice %arg19[%mul3A_483] : memref<4992xi32, #tpu.memory_space<vmem>> -> memref<128xi32, #tpu.memory_space<vmem>>
        %dma_start3A_485 = arith.constant 0 : i32
        %dma_start3A_486 = arith.constant 0 : i32
        %dma_start3A_487 = tpu.memref_slice %arg5[%dma_start3A_485, %dma_start3A_486] : memref<10000x128xf32, #tpu.memory_space<hbm>> -> memref<10000x128xf32, #tpu.memory_space<hbm>>
        tpu.enqueue_indirect_dma source(%dma_start3A_487 : memref<10000x128xf32, #tpu.memory_space<hbm>>) target(%arg14 : memref<128x128xf32, #tpu.memory_space<vmem>>) offsets(%dma_start3A_484 : memref<128xi32, #tpu.memory_space<vmem>>) semaphore(%arg26 : memref<!tpu.dma_semaphore, #tpu.memory_space<semaphore_mem>>)
      } else {
      }
      %dma_wait3A_445 = arith.constant 0 : i32
      %dma_wait3A_446 = tpu.memref_slice %arg19[%dma_wait3A_445] : memref<4992xi32, #tpu.memory_space<vmem>> -> memref<128xi32, #tpu.memory_space<vmem>>
      %dma_wait3A_447 = arith.constant 0 : i32
      %dma_wait3A_448 = arith.constant 0 : i32
      %dma_wait3A_449 = tpu.memref_slice %arg5[%dma_wait3A_447, %dma_wait3A_448] : memref<10000x128xf32, #tpu.memory_space<hbm>> -> memref<10000x128xf32, #tpu.memory_space<hbm>>
      tpu.wait_indirect_dma semaphore(%arg27 : memref<!tpu.dma_semaphore, #tpu.memory_space<semaphore_mem>>) src(%dma_wait3A_449 : memref<10000x128xf32, #tpu.memory_space<hbm>>) dst(%arg15 : memref<128x128xf32, #tpu.memory_space<vmem>>)
      %mul3A_450 = arith.constant 2 : i32
      %mul3A_451 = arith.muli %mul3A_450, %scan3A_407 : i32
      %add3A_452 = arith.constant 1 : i32
      %add3A_453 = arith.addi %mul3A_451, %add3A_452 : i32
      %dma_start3A_454 = arith.constant 0 : i32
      %dma_start3A_455 = tpu.memref_slice %arg21[%add3A_453, %dma_start3A_454] : memref<39x128xi32, #tpu.memory_space<vmem>> -> memref<1x128xi32, #tpu.memory_space<vmem>>
      %dma_start3A_456 = tpu.memref_squeeze %dma_start3A_455 : memref<1x128xi32, #tpu.memory_space<vmem>> -> memref<128xi32, #tpu.memory_space<vmem>>
      %dma_start3A_457 = arith.constant 0 : i32
      %dma_start3A_458 = arith.constant 0 : i32
      %dma_start3A_459 = tpu.memref_slice %arg22[%dma_start3A_457, %dma_start3A_458] : memref<6144x128xf32, #tpu.memory_space<vmem_shared>> -> memref<6144x128xf32, #tpu.memory_space<vmem_shared>>
      tpu.enqueue_indirect_dma source(%arg15 : memref<128x128xf32, #tpu.memory_space<vmem>>) target(%dma_start3A_459 : memref<6144x128xf32, #tpu.memory_space<vmem_shared>>) offsets(%dma_start3A_456 : memref<128xi32, #tpu.memory_space<vmem>>) semaphore(%arg29 : memref<!tpu.dma_semaphore, #tpu.memory_space<semaphore_mem>>) {add = true}
      %dma_start3A_460 = arith.constant 0 : i32
      %dma_start3A_461 = tpu.memref_slice %arg21[%add3A_453, %dma_start3A_460] : memref<39x128xi32, #tpu.memory_space<vmem>> -> memref<1x128xi32, #tpu.memory_space<vmem>>
      %dma_start3A_462 = tpu.memref_squeeze %dma_start3A_461 : memref<1x128xi32, #tpu.memory_space<vmem>> -> memref<128xi32, #tpu.memory_space<vmem>>
      %dma_start3A_463 = arith.constant 0 : i32
      %dma_start3A_464 = tpu.memref_slice %arg23[%dma_start3A_463] : memref<6144xf32, #tpu.memory_space<vmem_shared>> -> memref<6144xf32, #tpu.memory_space<vmem_shared>>
      tpu.enqueue_indirect_dma source(%arg16 : memref<128xf32, #tpu.memory_space<vmem>>) target(%dma_start3A_464 : memref<6144xf32, #tpu.memory_space<vmem_shared>>) offsets(%dma_start3A_462 : memref<128xi32, #tpu.memory_space<vmem>>) semaphore(%arg29 : memref<!tpu.dma_semaphore, #tpu.memory_space<semaphore_mem>>) {add = true}
    }
    %scan3A_153 = arith.constant 19 : i32
    %dma_wait3A_154 = arith.constant 0 : i32
    %dma_wait3A_155 = arith.constant 0 : i32
    %dma_wait3A_156 = tpu.memref_slice %arg21[%dma_wait3A_154, %dma_wait3A_155] : memref<39x128xi32, #tpu.memory_space<vmem>> -> memref<1x128xi32, #tpu.memory_space<vmem>>
    %dma_wait3A_157 = tpu.memref_squeeze %dma_wait3A_156 : memref<1x128xi32, #tpu.memory_space<vmem>> -> memref<128xi32, #tpu.memory_space<vmem>>
    %dma_wait3A_158 = arith.constant 0 : i32
    %dma_wait3A_159 = arith.constant 0 : i32
    %dma_wait3A_160 = tpu.memref_slice %arg22[%dma_wait3A_158, %dma_wait3A_159] : memref<6144x128xf32, #tpu.memory_space<vmem_shared>> -> memref<6144x128xf32, #tpu.memory_space<vmem_shared>>
    tpu.wait_indirect_dma semaphore(%arg28 : memref<!tpu.dma_semaphore, #tpu.memory_space<semaphore_mem>>) src(%arg14 : memref<128x128xf32, #tpu.memory_space<vmem>>) dst(%dma_wait3A_160 : memref<6144x128xf32, #tpu.memory_space<vmem_shared>>)
    %dma_wait3A_161 = arith.constant 0 : i32
    %dma_wait3A_162 = arith.constant 0 : i32
    %dma_wait3A_163 = tpu.memref_slice %arg21[%dma_wait3A_161, %dma_wait3A_162] : memref<39x128xi32, #tpu.memory_space<vmem>> -> memref<1x128xi32, #tpu.memory_space<vmem>>
    %dma_wait3A_164 = tpu.memref_squeeze %dma_wait3A_163 : memref<1x128xi32, #tpu.memory_space<vmem>> -> memref<128xi32, #tpu.memory_space<vmem>>
    %dma_wait3A_165 = arith.constant 0 : i32
    %dma_wait3A_166 = tpu.memref_slice %arg23[%dma_wait3A_165] : memref<6144xf32, #tpu.memory_space<vmem_shared>> -> memref<6144xf32, #tpu.memory_space<vmem_shared>>
    tpu.wait_indirect_dma semaphore(%arg28 : memref<!tpu.dma_semaphore, #tpu.memory_space<semaphore_mem>>) src(%arg16 : memref<128xf32, #tpu.memory_space<vmem>>) dst(%dma_wait3A_166 : memref<6144xf32, #tpu.memory_space<vmem_shared>>)
    %dma_wait3A_167 = arith.constant 0 : i32
    %dma_wait3A_168 = arith.constant 0 : i32
    %dma_wait3A_169 = tpu.memref_slice %arg21[%dma_wait3A_167, %dma_wait3A_168] : memref<39x128xi32, #tpu.memory_space<vmem>> -> memref<1x128xi32, #tpu.memory_space<vmem>>
    %dma_wait3A_170 = tpu.memref_squeeze %dma_wait3A_169 : memref<1x128xi32, #tpu.memory_space<vmem>> -> memref<128xi32, #tpu.memory_space<vmem>>
    %dma_wait3A_171 = arith.constant 0 : i32
    %dma_wait3A_172 = arith.constant 0 : i32
    %dma_wait3A_173 = tpu.memref_slice %arg22[%dma_wait3A_171, %dma_wait3A_172] : memref<6144x128xf32, #tpu.memory_space<vmem_shared>> -> memref<6144x128xf32, #tpu.memory_space<vmem_shared>>
    tpu.wait_indirect_dma semaphore(%arg29 : memref<!tpu.dma_semaphore, #tpu.memory_space<semaphore_mem>>) src(%arg15 : memref<128x128xf32, #tpu.memory_space<vmem>>) dst(%dma_wait3A_173 : memref<6144x128xf32, #tpu.memory_space<vmem_shared>>)
    %dma_wait3A_174 = arith.constant 0 : i32
    %dma_wait3A_175 = arith.constant 0 : i32
    %dma_wait3A_176 = tpu.memref_slice %arg21[%dma_wait3A_174, %dma_wait3A_175] : memref<39x128xi32, #tpu.memory_space<vmem>> -> memref<1x128xi32, #tpu.memory_space<vmem>>
    %dma_wait3A_177 = tpu.memref_squeeze %dma_wait3A_176 : memref<1x128xi32, #tpu.memory_space<vmem>> -> memref<128xi32, #tpu.memory_space<vmem>>
    %dma_wait3A_178 = arith.constant 0 : i32
    %dma_wait3A_179 = tpu.memref_slice %arg23[%dma_wait3A_178] : memref<6144xf32, #tpu.memory_space<vmem_shared>> -> memref<6144xf32, #tpu.memory_space<vmem_shared>>
    tpu.wait_indirect_dma semaphore(%arg29 : memref<!tpu.dma_semaphore, #tpu.memory_space<semaphore_mem>>) src(%arg16 : memref<128xf32, #tpu.memory_space<vmem>>) dst(%dma_wait3A_179 : memref<6144xf32, #tpu.memory_space<vmem_shared>>)
    %dma_start3A_180 = arith.constant 4864 : i32
    %dma_start3A_181 = tpu.memref_slice %arg19[%dma_start3A_180] : memref<4992xi32, #tpu.memory_space<vmem>> -> memref<128xi32, #tpu.memory_space<vmem>>
    %dma_start3A_182 = arith.constant 0 : i32
    %dma_start3A_183 = arith.constant 0 : i32
    %dma_start3A_184 = tpu.memref_slice %arg5[%dma_start3A_182, %dma_start3A_183] : memref<10000x128xf32, #tpu.memory_space<hbm>> -> memref<10000x128xf32, #tpu.memory_space<hbm>>
    tpu.enqueue_indirect_dma source(%dma_start3A_184 : memref<10000x128xf32, #tpu.memory_space<hbm>>) target(%arg14 : memref<128x128xf32, #tpu.memory_space<vmem>>) offsets(%dma_start3A_181 : memref<128xi32, #tpu.memory_space<vmem>>) semaphore(%arg26 : memref<!tpu.dma_semaphore, #tpu.memory_space<semaphore_mem>>)
    %dma_wait3A_185 = arith.constant 0 : i32
    %dma_wait3A_186 = tpu.memref_slice %arg19[%dma_wait3A_185] : memref<4992xi32, #tpu.memory_space<vmem>> -> memref<128xi32, #tpu.memory_space<vmem>>
    %dma_wait3A_187 = arith.constant 0 : i32
    %dma_wait3A_188 = arith.constant 0 : i32
    %dma_wait3A_189 = tpu.memref_slice %arg5[%dma_wait3A_187, %dma_wait3A_188] : memref<10000x128xf32, #tpu.memory_space<hbm>> -> memref<10000x128xf32, #tpu.memory_space<hbm>>
    tpu.wait_indirect_dma semaphore(%arg26 : memref<!tpu.dma_semaphore, #tpu.memory_space<semaphore_mem>>) src(%dma_wait3A_189 : memref<10000x128xf32, #tpu.memory_space<hbm>>) dst(%arg14 : memref<128x128xf32, #tpu.memory_space<vmem>>)
    %dma_start3A_190 = arith.constant 38 : i32
    %dma_start3A_191 = arith.constant 0 : i32
    %dma_start3A_192 = tpu.memref_slice %arg21[%dma_start3A_190, %dma_start3A_191] : memref<39x128xi32, #tpu.memory_space<vmem>> -> memref<1x128xi32, #tpu.memory_space<vmem>>
    %dma_start3A_193 = tpu.memref_squeeze %dma_start3A_192 : memref<1x128xi32, #tpu.memory_space<vmem>> -> memref<128xi32, #tpu.memory_space<vmem>>
    %dma_start3A_194 = arith.constant 0 : i32
    %dma_start3A_195 = arith.constant 0 : i32
    %dma_start3A_196 = tpu.memref_slice %arg22[%dma_start3A_194, %dma_start3A_195] : memref<6144x128xf32, #tpu.memory_space<vmem_shared>> -> memref<6144x128xf32, #tpu.memory_space<vmem_shared>>
    tpu.enqueue_indirect_dma source(%arg14 : memref<128x128xf32, #tpu.memory_space<vmem>>) target(%dma_start3A_196 : memref<6144x128xf32, #tpu.memory_space<vmem_shared>>) offsets(%dma_start3A_193 : memref<128xi32, #tpu.memory_space<vmem>>) semaphore(%arg28 : memref<!tpu.dma_semaphore, #tpu.memory_space<semaphore_mem>>) {add = true}
    %dma_start3A_197 = arith.constant 38 : i32
    %dma_start3A_198 = arith.constant 0 : i32
    %dma_start3A_199 = tpu.memref_slice %arg21[%dma_start3A_197, %dma_start3A_198] : memref<39x128xi32, #tpu.memory_space<vmem>> -> memref<1x128xi32, #tpu.memory_space<vmem>>
    %dma_start3A_200 = tpu.memref_squeeze %dma_start3A_199 : memref<1x128xi32, #tpu.memory_space<vmem>> -> memref<128xi32, #tpu.memory_space<vmem>>
    %dma_start3A_201 = arith.constant 0 : i32
    %dma_start3A_202 = tpu.memref_slice %arg23[%dma_start3A_201] : memref<6144xf32, #tpu.memory_space<vmem_shared>> -> memref<6144xf32, #tpu.memory_space<vmem_shared>>
    tpu.enqueue_indirect_dma source(%arg16 : memref<128xf32, #tpu.memory_space<vmem>>) target(%dma_start3A_202 : memref<6144xf32, #tpu.memory_space<vmem_shared>>) offsets(%dma_start3A_200 : memref<128xi32, #tpu.memory_space<vmem>>) semaphore(%arg28 : memref<!tpu.dma_semaphore, #tpu.memory_space<semaphore_mem>>) {add = true}
    %dma_wait3A_203 = arith.constant 0 : i32
    %dma_wait3A_204 = arith.constant 0 : i32
    %dma_wait3A_205 = tpu.memref_slice %arg21[%dma_wait3A_203, %dma_wait3A_204] : memref<39x128xi32, #tpu.memory_space<vmem>> -> memref<1x128xi32, #tpu.memory_space<vmem>>
    %dma_wait3A_206 = tpu.memref_squeeze %dma_wait3A_205 : memref<1x128xi32, #tpu.memory_space<vmem>> -> memref<128xi32, #tpu.memory_space<vmem>>
    %dma_wait3A_207 = arith.constant 0 : i32
    %dma_wait3A_208 = arith.constant 0 : i32
    %dma_wait3A_209 = tpu.memref_slice %arg22[%dma_wait3A_207, %dma_wait3A_208] : memref<6144x128xf32, #tpu.memory_space<vmem_shared>> -> memref<6144x128xf32, #tpu.memory_space<vmem_shared>>
    tpu.wait_indirect_dma semaphore(%arg28 : memref<!tpu.dma_semaphore, #tpu.memory_space<semaphore_mem>>) src(%arg14 : memref<128x128xf32, #tpu.memory_space<vmem>>) dst(%dma_wait3A_209 : memref<6144x128xf32, #tpu.memory_space<vmem_shared>>)
    %dma_wait3A_210 = arith.constant 0 : i32
    %dma_wait3A_211 = arith.constant 0 : i32
    %dma_wait3A_212 = tpu.memref_slice %arg21[%dma_wait3A_210, %dma_wait3A_211] : memref<39x128xi32, #tpu.memory_space<vmem>> -> memref<1x128xi32, #tpu.memory_space<vmem>>
    %dma_wait3A_213 = tpu.memref_squeeze %dma_wait3A_212 : memref<1x128xi32, #tpu.memory_space<vmem>> -> memref<128xi32, #tpu.memory_space<vmem>>
    %dma_wait3A_214 = arith.constant 0 : i32
    %dma_wait3A_215 = tpu.memref_slice %arg23[%dma_wait3A_214] : memref<6144xf32, #tpu.memory_space<vmem_shared>> -> memref<6144xf32, #tpu.memory_space<vmem_shared>>
    tpu.wait_indirect_dma semaphore(%arg28 : memref<!tpu.dma_semaphore, #tpu.memory_space<semaphore_mem>>) src(%arg16 : memref<128xf32, #tpu.memory_space<vmem>>) dst(%dma_wait3A_215 : memref<6144xf32, #tpu.memory_space<vmem_shared>>)
    %lt3A = arith.constant 2 : i32
    %lt3A_216 = arith.cmpi slt, %add3A, %lt3A : i32
    %convert_element_type3A = arith.extui %lt3A_216 : i1 to i32
    %cond3A = arith.constant 0 : i32
    %cond3A_217 = arith.cmpi ne, %convert_element_type3A, %cond3A : i32
    scf.if %cond3A_217 {
      %add3A_407 = arith.constant 4992 : i32
      %add3A_408 = arith.addi %mul3A_136, %add3A_407 : i32
      "tpu.region"() ({
        %run_scoped3A = tpu.sem_alloc : memref<!tpu.dma_semaphore, #tpu.memory_space<semaphore_mem>>
        %dma_start3A_455 = tpu.memref_slice %arg2[%add3A_408] : memref<160000xi32, #tpu.memory_space<hbm>> -> memref<128xi32, #tpu.memory_space<hbm>>
        %dma_start3A_456 = tpu.memref_slice %arg2[%add3A_408] : memref<160000xi32, #tpu.memory_space<hbm>> -> memref<128xi32, #tpu.memory_space<hbm>>
        tpu.enqueue_dma source(%dma_start3A_456 : memref<128xi32, #tpu.memory_space<hbm>>) target(%arg10 : memref<128xi32, #tpu.memory_space<vmem>>) target_semaphore(%run_scoped3A : memref<!tpu.dma_semaphore, #tpu.memory_space<semaphore_mem>>)
        %dma_wait3A_457 = tpu.memref_slice %arg2[%add3A_408] : memref<160000xi32, #tpu.memory_space<hbm>> -> memref<128xi32, #tpu.memory_space<hbm>>
        %dma_wait3A_458 = tpu.memref_slice %arg2[%add3A_408] : memref<160000xi32, #tpu.memory_space<hbm>> -> memref<128xi32, #tpu.memory_space<hbm>>
        tpu.wait_dma2 semaphore(%run_scoped3A : memref<!tpu.dma_semaphore, #tpu.memory_space<semaphore_mem>>) src(%dma_wait3A_458 : memref<128xi32, #tpu.memory_space<hbm>>) dst(%arg10 : memref<128xi32, #tpu.memory_space<vmem>>)
        tpu.yield
      }) : () -> ()
      "tpu.region"() ({
        %run_scoped3A = tpu.sem_alloc : memref<!tpu.dma_semaphore, #tpu.memory_space<semaphore_mem>>
        %dma_start3A_455 = tpu.memref_slice %arg3[%add3A_408] : memref<160000xi32, #tpu.memory_space<hbm>> -> memref<128xi32, #tpu.memory_space<hbm>>
        %dma_start3A_456 = tpu.memref_slice %arg3[%add3A_408] : memref<160000xi32, #tpu.memory_space<hbm>> -> memref<128xi32, #tpu.memory_space<hbm>>
        tpu.enqueue_dma source(%dma_start3A_456 : memref<128xi32, #tpu.memory_space<hbm>>) target(%arg11 : memref<128xi32, #tpu.memory_space<vmem>>) target_semaphore(%run_scoped3A : memref<!tpu.dma_semaphore, #tpu.memory_space<semaphore_mem>>)
        %dma_wait3A_457 = tpu.memref_slice %arg3[%add3A_408] : memref<160000xi32, #tpu.memory_space<hbm>> -> memref<128xi32, #tpu.memory_space<hbm>>
        %dma_wait3A_458 = tpu.memref_slice %arg3[%add3A_408] : memref<160000xi32, #tpu.memory_space<hbm>> -> memref<128xi32, #tpu.memory_space<hbm>>
        tpu.wait_dma2 semaphore(%run_scoped3A : memref<!tpu.dma_semaphore, #tpu.memory_space<semaphore_mem>>) src(%dma_wait3A_458 : memref<128xi32, #tpu.memory_space<hbm>>) dst(%arg11 : memref<128xi32, #tpu.memory_space<vmem>>)
        tpu.yield
      }) : () -> ()
      %get3A_409 = arith.constant 0 : index
      %get3A_410 = tpu.vector_load %arg11[%get3A_409] {strides = array<i32>} : memref<128xi32, #tpu.memory_space<vmem>>, vector<16xi32>,
      %gather3A_411 = tpu.vector_load_idx %arg13[%get3A_410] : memref<10240xi32, #tpu.memory_space<vmem>>[vector<16xi32>], vector<16xi32>,
      %swap3A_412 = arith.constant 0 : index
      %swap3A_413 = tpu.vector_load %arg11[%swap3A_412] {strides = array<i32>} : memref<128xi32, #tpu.memory_space<vmem>>, vector<16xi32>,
      tpu.vector_store %arg11[%swap3A_412], %gather3A_411 {strides = array<i32>} : memref<128xi32, #tpu.memory_space<vmem>>, vector<16xi32>,
      %get3A_414 = arith.constant 16 : index
      %get3A_415 = tpu.vector_load %arg11[%get3A_414] {strides = array<i32>} : memref<128xi32, #tpu.memory_space<vmem>>, vector<16xi32>,
      %gather3A_416 = tpu.vector_load_idx %arg13[%get3A_415] : memref<10240xi32, #tpu.memory_space<vmem>>[vector<16xi32>], vector<16xi32>,
      %swap3A_417 = arith.constant 16 : index
      %swap3A_418 = tpu.vector_load %arg11[%swap3A_417] {strides = array<i32>} : memref<128xi32, #tpu.memory_space<vmem>>, vector<16xi32>,
      tpu.vector_store %arg11[%swap3A_417], %gather3A_416 {strides = array<i32>} : memref<128xi32, #tpu.memory_space<vmem>>, vector<16xi32>,
      %get3A_419 = arith.constant 32 : index
      %get3A_420 = tpu.vector_load %arg11[%get3A_419] {strides = array<i32>} : memref<128xi32, #tpu.memory_space<vmem>>, vector<16xi32>,
      %gather3A_421 = tpu.vector_load_idx %arg13[%get3A_420] : memref<10240xi32, #tpu.memory_space<vmem>>[vector<16xi32>], vector<16xi32>,
      %swap3A_422 = arith.constant 32 : index
      %swap3A_423 = tpu.vector_load %arg11[%swap3A_422] {strides = array<i32>} : memref<128xi32, #tpu.memory_space<vmem>>, vector<16xi32>,
      tpu.vector_store %arg11[%swap3A_422], %gather3A_421 {strides = array<i32>} : memref<128xi32, #tpu.memory_space<vmem>>, vector<16xi32>,
      %get3A_424 = arith.constant 48 : index
      %get3A_425 = tpu.vector_load %arg11[%get3A_424] {strides = array<i32>} : memref<128xi32, #tpu.memory_space<vmem>>, vector<16xi32>,
      %gather3A_426 = tpu.vector_load_idx %arg13[%get3A_425] : memref<10240xi32, #tpu.memory_space<vmem>>[vector<16xi32>], vector<16xi32>,
      %swap3A_427 = arith.constant 48 : index
      %swap3A_428 = tpu.vector_load %arg11[%swap3A_427] {strides = array<i32>} : memref<128xi32, #tpu.memory_space<vmem>>, vector<16xi32>,
      tpu.vector_store %arg11[%swap3A_427], %gather3A_426 {strides = array<i32>} : memref<128xi32, #tpu.memory_space<vmem>>, vector<16xi32>,
      %get3A_429 = arith.constant 64 : index
      %get3A_430 = tpu.vector_load %arg11[%get3A_429] {strides = array<i32>} : memref<128xi32, #tpu.memory_space<vmem>>, vector<16xi32>,
      %gather3A_431 = tpu.vector_load_idx %arg13[%get3A_430] : memref<10240xi32, #tpu.memory_space<vmem>>[vector<16xi32>], vector<16xi32>,
      %swap3A_432 = arith.constant 64 : index
      %swap3A_433 = tpu.vector_load %arg11[%swap3A_432] {strides = array<i32>} : memref<128xi32, #tpu.memory_space<vmem>>, vector<16xi32>,
      tpu.vector_store %arg11[%swap3A_432], %gather3A_431 {strides = array<i32>} : memref<128xi32, #tpu.memory_space<vmem>>, vector<16xi32>,
      %get3A_434 = arith.constant 80 : index
      %get3A_435 = tpu.vector_load %arg11[%get3A_434] {strides = array<i32>} : memref<128xi32, #tpu.memory_space<vmem>>, vector<16xi32>,
      %gather3A_436 = tpu.vector_load_idx %arg13[%get3A_435] : memref<10240xi32, #tpu.memory_space<vmem>>[vector<16xi32>], vector<16xi32>,
      %swap3A_437 = arith.constant 80 : index
      %swap3A_438 = tpu.vector_load %arg11[%swap3A_437] {strides = array<i32>} : memref<128xi32, #tpu.memory_space<vmem>>, vector<16xi32>,
      tpu.vector_store %arg11[%swap3A_437], %gather3A_436 {strides = array<i32>} : memref<128xi32, #tpu.memory_space<vmem>>, vector<16xi32>,
      %get3A_439 = arith.constant 96 : index
      %get3A_440 = tpu.vector_load %arg11[%get3A_439] {strides = array<i32>} : memref<128xi32, #tpu.memory_space<vmem>>, vector<16xi32>,
      %gather3A_441 = tpu.vector_load_idx %arg13[%get3A_440] : memref<10240xi32, #tpu.memory_space<vmem>>[vector<16xi32>], vector<16xi32>,
      %swap3A_442 = arith.constant 96 : index
      %swap3A_443 = tpu.vector_load %arg11[%swap3A_442] {strides = array<i32>} : memref<128xi32, #tpu.memory_space<vmem>>, vector<16xi32>,
      tpu.vector_store %arg11[%swap3A_442], %gather3A_441 {strides = array<i32>} : memref<128xi32, #tpu.memory_space<vmem>>, vector<16xi32>,
      %get3A_444 = arith.constant 112 : index
      %get3A_445 = tpu.vector_load %arg11[%get3A_444] {strides = array<i32>} : memref<128xi32, #tpu.memory_space<vmem>>, vector<16xi32>,
      %gather3A_446 = tpu.vector_load_idx %arg13[%get3A_445] : memref<10240xi32, #tpu.memory_space<vmem>>[vector<16xi32>], vector<16xi32>,
      %swap3A_447 = arith.constant 112 : index
      %swap3A_448 = tpu.vector_load %arg11[%swap3A_447] {strides = array<i32>} : memref<128xi32, #tpu.memory_space<vmem>>, vector<16xi32>,
      tpu.vector_store %arg11[%swap3A_447], %gather3A_446 {strides = array<i32>} : memref<128xi32, #tpu.memory_space<vmem>>, vector<16xi32>,
      %dma_start3A_449 = arith.constant 0 : i32
      %dma_start3A_450 = arith.constant 0 : i32
      %dma_start3A_451 = tpu.memref_slice %arg5[%dma_start3A_449, %dma_start3A_450] : memref<10000x128xf32, #tpu.memory_space<hbm>> -> memref<10000x128xf32, #tpu.memory_space<hbm>>
      tpu.enqueue_indirect_dma source(%dma_start3A_451 : memref<10000x128xf32, #tpu.memory_space<hbm>>) target(%arg14 : memref<128x128xf32, #tpu.memory_space<vmem>>) offsets(%arg10 : memref<128xi32, #tpu.memory_space<vmem>>) semaphore(%arg26 : memref<!tpu.dma_semaphore, #tpu.memory_space<semaphore_mem>>)
      %dma_wait3A_452 = arith.constant 0 : i32
      %dma_wait3A_453 = arith.constant 0 : i32
      %dma_wait3A_454 = tpu.memref_slice %arg5[%dma_wait3A_452, %dma_wait3A_453] : memref<10000x128xf32, #tpu.memory_space<hbm>> -> memref<10000x128xf32, #tpu.memory_space<hbm>>
      tpu.wait_indirect_dma semaphore(%arg26 : memref<!tpu.dma_semaphore, #tpu.memory_space<semaphore_mem>>) src(%dma_wait3A_454 : memref<10000x128xf32, #tpu.memory_space<hbm>>) dst(%arg14 : memref<128x128xf32, #tpu.memory_space<vmem>>)
      "tpu.region"() ({
        %run_scoped3A = tpu.sem_alloc : memref<!tpu.dma_semaphore, #tpu.memory_space<semaphore_mem>>
        %dma_start3A_455 = arith.constant 0 : i32
        %dma_start3A_456 = arith.constant 0 : i32
        %dma_start3A_457 = tpu.memref_slice %arg22[%dma_start3A_455, %dma_start3A_456] : memref<6144x128xf32, #tpu.memory_space<vmem_shared>> -> memref<6144x128xf32, #tpu.memory_space<vmem_shared>>
        tpu.enqueue_indirect_dma source(%arg14 : memref<128x128xf32, #tpu.memory_space<vmem>>) target(%dma_start3A_457 : memref<6144x128xf32, #tpu.memory_space<vmem_shared>>) offsets(%arg11 : memref<128xi32, #tpu.memory_space<vmem>>) semaphore(%run_scoped3A : memref<!tpu.dma_semaphore, #tpu.memory_space<semaphore_mem>>) {add = true}
        %dma_wait3A_458 = arith.constant 0 : i32
        %dma_wait3A_459 = arith.constant 0 : i32
        %dma_wait3A_460 = tpu.memref_slice %arg22[%dma_wait3A_458, %dma_wait3A_459] : memref<6144x128xf32, #tpu.memory_space<vmem_shared>> -> memref<6144x128xf32, #tpu.memory_space<vmem_shared>>
        tpu.wait_indirect_dma semaphore(%run_scoped3A : memref<!tpu.dma_semaphore, #tpu.memory_space<semaphore_mem>>) src(%arg14 : memref<128x128xf32, #tpu.memory_space<vmem>>) dst(%dma_wait3A_460 : memref<6144x128xf32, #tpu.memory_space<vmem_shared>>)
        tpu.yield
      }) : () -> ()
      "tpu.region"() ({
        %run_scoped3A = tpu.sem_alloc : memref<!tpu.dma_semaphore, #tpu.memory_space<semaphore_mem>>
        %dma_start3A_455 = arith.constant 0 : i32
        %dma_start3A_456 = tpu.memref_slice %arg23[%dma_start3A_455] : memref<6144xf32, #tpu.memory_space<vmem_shared>> -> memref<6144xf32, #tpu.memory_space<vmem_shared>>
        tpu.enqueue_indirect_dma source(%arg16 : memref<128xf32, #tpu.memory_space<vmem>>) target(%dma_start3A_456 : memref<6144xf32, #tpu.memory_space<vmem_shared>>) offsets(%arg11 : memref<128xi32, #tpu.memory_space<vmem>>) semaphore(%run_scoped3A : memref<!tpu.dma_semaphore, #tpu.memory_space<semaphore_mem>>) {add = true}
        %dma_wait3A_457 = arith.constant 0 : i32
        %dma_wait3A_458 = tpu.memref_slice %arg23[%dma_wait3A_457] : memref<6144xf32, #tpu.memory_space<vmem_shared>> -> memref<6144xf32, #tpu.memory_space<vmem_shared>>
        tpu.wait_indirect_dma semaphore(%run_scoped3A : memref<!tpu.dma_semaphore, #tpu.memory_space<semaphore_mem>>) src(%arg16 : memref<128xf32, #tpu.memory_space<vmem>>) dst(%dma_wait3A_458 : memref<6144xf32, #tpu.memory_space<vmem_shared>>)
        tpu.yield
      }) : () -> ()
    } else {
    }
    %barrier3A_218 = arith.constant 0 : index
    tpu.barrier barrier_id(%barrier3A_218)
    %mul3A_219 = arith.constant 256 : i32
    %mul3A_220 = arith.muli %arg1, %mul3A_219 : i32
    %mul3A_221 = arith.constant 128 : i32
    %mul3A_222 = arith.muli %add3A, %mul3A_221 : i32
    %dma_start3A_223 = arith.constant 0 : i32
    %dma_start3A_224 = tpu.memref_slice %arg19[%dma_start3A_223] : memref<4992xi32, #tpu.memory_space<vmem>> -> memref<256xi32, #tpu.memory_space<vmem>>
    %dma_start3A_225 = tpu.memref_slice %arg4[%mul3A_220] : memref<4096xi32, #tpu.memory_space<hbm>> -> memref<256xi32, #tpu.memory_space<hbm>>
    %dma_start3A_226 = arith.constant 0 : i32
    %dma_start3A_227 = tpu.memref_slice %arg19[%dma_start3A_226] : memref<4992xi32, #tpu.memory_space<vmem>> -> memref<256xi32, #tpu.memory_space<vmem>>
    %dma_start3A_228 = tpu.memref_slice %arg4[%mul3A_220] : memref<4096xi32, #tpu.memory_space<hbm>> -> memref<256xi32, #tpu.memory_space<hbm>>
    tpu.enqueue_dma source(%dma_start3A_228 : memref<256xi32, #tpu.memory_space<hbm>>) target(%dma_start3A_227 : memref<256xi32, #tpu.memory_space<vmem>>) target_semaphore(%arg25 : memref<!tpu.dma_semaphore, #tpu.memory_space<semaphore_mem>>)
    "tpu.region"() ({
      %run_scoped3A = tpu.sem_alloc : memref<!tpu.dma_semaphore, #tpu.memory_space<semaphore_mem>>
      %dma_start3A_407 = tpu.memref_slice %arg4[%mul3A_222] : memref<4096xi32, #tpu.memory_space<hbm>> -> memref<128xi32, #tpu.memory_space<hbm>>
      %dma_start3A_408 = tpu.memref_slice %arg4[%mul3A_222] : memref<4096xi32, #tpu.memory_space<hbm>> -> memref<128xi32, #tpu.memory_space<hbm>>
      tpu.enqueue_dma source(%dma_start3A_408 : memref<128xi32, #tpu.memory_space<hbm>>) target(%arg10 : memref<128xi32, #tpu.memory_space<vmem>>) target_semaphore(%run_scoped3A : memref<!tpu.dma_semaphore, #tpu.memory_space<semaphore_mem>>)
      %dma_wait3A_409 = tpu.memref_slice %arg4[%mul3A_222] : memref<4096xi32, #tpu.memory_space<hbm>> -> memref<128xi32, #tpu.memory_space<hbm>>
      %dma_wait3A_410 = tpu.memref_slice %arg4[%mul3A_222] : memref<4096xi32, #tpu.memory_space<hbm>> -> memref<128xi32, #tpu.memory_space<hbm>>
      tpu.wait_dma2 semaphore(%run_scoped3A : memref<!tpu.dma_semaphore, #tpu.memory_space<semaphore_mem>>) src(%dma_wait3A_410 : memref<128xi32, #tpu.memory_space<hbm>>) dst(%arg10 : memref<128xi32, #tpu.memory_space<vmem>>)
      tpu.yield
    }) : () -> ()
    %dma_wait3A_229 = arith.constant 0 : i32
    %dma_wait3A_230 = tpu.memref_slice %arg19[%dma_wait3A_229] : memref<4992xi32, #tpu.memory_space<vmem>> -> memref<256xi32, #tpu.memory_space<vmem>>
    %dma_wait3A_231 = tpu.memref_slice %arg4[%mul3A_220] : memref<4096xi32, #tpu.memory_space<hbm>> -> memref<256xi32, #tpu.memory_space<hbm>>
    %dma_wait3A_232 = arith.constant 0 : i32
    %dma_wait3A_233 = tpu.memref_slice %arg19[%dma_wait3A_232] : memref<4992xi32, #tpu.memory_space<vmem>> -> memref<256xi32, #tpu.memory_space<vmem>>
    %dma_wait3A_234 = tpu.memref_slice %arg4[%mul3A_220] : memref<4096xi32, #tpu.memory_space<hbm>> -> memref<256xi32, #tpu.memory_space<hbm>>
    tpu.wait_dma2 semaphore(%arg25 : memref<!tpu.dma_semaphore, #tpu.memory_space<semaphore_mem>>) src(%dma_wait3A_234 : memref<256xi32, #tpu.memory_space<hbm>>) dst(%dma_wait3A_233 : memref<256xi32, #tpu.memory_space<vmem>>)
    %get3A = arith.constant 0 : index
    %get3A_235 = tpu.vector_load %arg19[%get3A] {strides = array<i32>} : memref<4992xi32, #tpu.memory_space<vmem>>, vector<16xi32>,
    %gather3A = tpu.vector_load_idx %arg13[%get3A_235] : memref<10240xi32, #tpu.memory_space<vmem>>[vector<16xi32>], vector<16xi32>,
    %swap3A_236 = arith.constant 0 : i32
    %swap3A_237 = arith.index_cast %swap3A_236 : i32 to index
    %swap3A_238 = arith.constant 0 : index
    %swap3A_239 = tpu.vector_load %arg21[%swap3A_237, %swap3A_238] {strides = array<i32>} : memref<39x128xi32, #tpu.memory_space<vmem>>, vector<16xi32>,
    tpu.vector_store %arg21[%swap3A_237, %swap3A_238], %gather3A {strides = array<i32>} : memref<39x128xi32, #tpu.memory_space<vmem>>, vector<16xi32>,
    %get3A_240 = arith.constant 16 : index
    %get3A_241 = tpu.vector_load %arg19[%get3A_240] {strides = array<i32>} : memref<4992xi32, #tpu.memory_space<vmem>>, vector<16xi32>,
    %gather3A_242 = tpu.vector_load_idx %arg13[%get3A_241] : memref<10240xi32, #tpu.memory_space<vmem>>[vector<16xi32>], vector<16xi32>,
    %swap3A_243 = arith.constant 0 : i32
    %swap3A_244 = arith.index_cast %swap3A_243 : i32 to index
    %swap3A_245 = arith.constant 16 : index
    %swap3A_246 = tpu.vector_load %arg21[%swap3A_244, %swap3A_245] {strides = array<i32>} : memref<39x128xi32, #tpu.memory_space<vmem>>, vector<16xi32>,
    tpu.vector_store %arg21[%swap3A_244, %swap3A_245], %gather3A_242 {strides = array<i32>} : memref<39x128xi32, #tpu.memory_space<vmem>>, vector<16xi32>,
    %get3A_247 = arith.constant 32 : index
    %get3A_248 = tpu.vector_load %arg19[%get3A_247] {strides = array<i32>} : memref<4992xi32, #tpu.memory_space<vmem>>, vector<16xi32>,
    %gather3A_249 = tpu.vector_load_idx %arg13[%get3A_248] : memref<10240xi32, #tpu.memory_space<vmem>>[vector<16xi32>], vector<16xi32>,
    %swap3A_250 = arith.constant 0 : i32
    %swap3A_251 = arith.index_cast %swap3A_250 : i32 to index
    %swap3A_252 = arith.constant 32 : index
    %swap3A_253 = tpu.vector_load %arg21[%swap3A_251, %swap3A_252] {strides = array<i32>} : memref<39x128xi32, #tpu.memory_space<vmem>>, vector<16xi32>,
    tpu.vector_store %arg21[%swap3A_251, %swap3A_252], %gather3A_249 {strides = array<i32>} : memref<39x128xi32, #tpu.memory_space<vmem>>, vector<16xi32>,
    %get3A_254 = arith.constant 48 : index
    %get3A_255 = tpu.vector_load %arg19[%get3A_254] {strides = array<i32>} : memref<4992xi32, #tpu.memory_space<vmem>>, vector<16xi32>,
    %gather3A_256 = tpu.vector_load_idx %arg13[%get3A_255] : memref<10240xi32, #tpu.memory_space<vmem>>[vector<16xi32>], vector<16xi32>,
    %swap3A_257 = arith.constant 0 : i32
    %swap3A_258 = arith.index_cast %swap3A_257 : i32 to index
    %swap3A_259 = arith.constant 48 : index
    %swap3A_260 = tpu.vector_load %arg21[%swap3A_258, %swap3A_259] {strides = array<i32>} : memref<39x128xi32, #tpu.memory_space<vmem>>, vector<16xi32>,
    tpu.vector_store %arg21[%swap3A_258, %swap3A_259], %gather3A_256 {strides = array<i32>} : memref<39x128xi32, #tpu.memory_space<vmem>>, vector<16xi32>,
    %get3A_261 = arith.constant 64 : index
    %get3A_262 = tpu.vector_load %arg19[%get3A_261] {strides = array<i32>} : memref<4992xi32, #tpu.memory_space<vmem>>, vector<16xi32>,
    %gather3A_263 = tpu.vector_load_idx %arg13[%get3A_262] : memref<10240xi32, #tpu.memory_space<vmem>>[vector<16xi32>], vector<16xi32>,
    %swap3A_264 = arith.constant 0 : i32
    %swap3A_265 = arith.index_cast %swap3A_264 : i32 to index
    %swap3A_266 = arith.constant 64 : index
    %swap3A_267 = tpu.vector_load %arg21[%swap3A_265, %swap3A_266] {strides = array<i32>} : memref<39x128xi32, #tpu.memory_space<vmem>>, vector<16xi32>,
    tpu.vector_store %arg21[%swap3A_265, %swap3A_266], %gather3A_263 {strides = array<i32>} : memref<39x128xi32, #tpu.memory_space<vmem>>, vector<16xi32>,
    %get3A_268 = arith.constant 80 : index
    %get3A_269 = tpu.vector_load %arg19[%get3A_268] {strides = array<i32>} : memref<4992xi32, #tpu.memory_space<vmem>>, vector<16xi32>,
    %gather3A_270 = tpu.vector_load_idx %arg13[%get3A_269] : memref<10240xi32, #tpu.memory_space<vmem>>[vector<16xi32>], vector<16xi32>,
    %swap3A_271 = arith.constant 0 : i32
    %swap3A_272 = arith.index_cast %swap3A_271 : i32 to index
    %swap3A_273 = arith.constant 80 : index
    %swap3A_274 = tpu.vector_load %arg21[%swap3A_272, %swap3A_273] {strides = array<i32>} : memref<39x128xi32, #tpu.memory_space<vmem>>, vector<16xi32>,
    tpu.vector_store %arg21[%swap3A_272, %swap3A_273], %gather3A_270 {strides = array<i32>} : memref<39x128xi32, #tpu.memory_space<vmem>>, vector<16xi32>,
    %get3A_275 = arith.constant 96 : index
    %get3A_276 = tpu.vector_load %arg19[%get3A_275] {strides = array<i32>} : memref<4992xi32, #tpu.memory_space<vmem>>, vector<16xi32>,
    %gather3A_277 = tpu.vector_load_idx %arg13[%get3A_276] : memref<10240xi32, #tpu.memory_space<vmem>>[vector<16xi32>], vector<16xi32>,
    %swap3A_278 = arith.constant 0 : i32
    %swap3A_279 = arith.index_cast %swap3A_278 : i32 to index
    %swap3A_280 = arith.constant 96 : index
    %swap3A_281 = tpu.vector_load %arg21[%swap3A_279, %swap3A_280] {strides = array<i32>} : memref<39x128xi32, #tpu.memory_space<vmem>>, vector<16xi32>,
    tpu.vector_store %arg21[%swap3A_279, %swap3A_280], %gather3A_277 {strides = array<i32>} : memref<39x128xi32, #tpu.memory_space<vmem>>, vector<16xi32>,
    %get3A_282 = arith.constant 112 : index
    %get3A_283 = tpu.vector_load %arg19[%get3A_282] {strides = array<i32>} : memref<4992xi32, #tpu.memory_space<vmem>>, vector<16xi32>,
    %gather3A_284 = tpu.vector_load_idx %arg13[%get3A_283] : memref<10240xi32, #tpu.memory_space<vmem>>[vector<16xi32>], vector<16xi32>,
    %swap3A_285 = arith.constant 0 : i32
    %swap3A_286 = arith.index_cast %swap3A_285 : i32 to index
    %swap3A_287 = arith.constant 112 : index
    %swap3A_288 = tpu.vector_load %arg21[%swap3A_286, %swap3A_287] {strides = array<i32>} : memref<39x128xi32, #tpu.memory_space<vmem>>, vector<16xi32>,
    tpu.vector_store %arg21[%swap3A_286, %swap3A_287], %gather3A_284 {strides = array<i32>} : memref<39x128xi32, #tpu.memory_space<vmem>>, vector<16xi32>,
    %get3A_289 = arith.constant 128 : index
    %get3A_290 = tpu.vector_load %arg19[%get3A_289] {strides = array<i32>} : memref<4992xi32, #tpu.memory_space<vmem>>, vector<16xi32>,
    %gather3A_291 = tpu.vector_load_idx %arg13[%get3A_290] : memref<10240xi32, #tpu.memory_space<vmem>>[vector<16xi32>], vector<16xi32>,
    %swap3A_292 = arith.constant 1 : i32
    %swap3A_293 = arith.index_cast %swap3A_292 : i32 to index
    %swap3A_294 = arith.constant 0 : index
    %swap3A_295 = tpu.vector_load %arg21[%swap3A_293, %swap3A_294] {strides = array<i32>} : memref<39x128xi32, #tpu.memory_space<vmem>>, vector<16xi32>,
    tpu.vector_store %arg21[%swap3A_293, %swap3A_294], %gather3A_291 {strides = array<i32>} : memref<39x128xi32, #tpu.memory_space<vmem>>, vector<16xi32>,
    %get3A_296 = arith.constant 144 : index
    %get3A_297 = tpu.vector_load %arg19[%get3A_296] {strides = array<i32>} : memref<4992xi32, #tpu.memory_space<vmem>>, vector<16xi32>,
    %gather3A_298 = tpu.vector_load_idx %arg13[%get3A_297] : memref<10240xi32, #tpu.memory_space<vmem>>[vector<16xi32>], vector<16xi32>,
    %swap3A_299 = arith.constant 1 : i32
    %swap3A_300 = arith.index_cast %swap3A_299 : i32 to index
    %swap3A_301 = arith.constant 16 : index
    %swap3A_302 = tpu.vector_load %arg21[%swap3A_300, %swap3A_301] {strides = array<i32>} : memref<39x128xi32, #tpu.memory_space<vmem>>, vector<16xi32>,
    tpu.vector_store %arg21[%swap3A_300, %swap3A_301], %gather3A_298 {strides = array<i32>} : memref<39x128xi32, #tpu.memory_space<vmem>>, vector<16xi32>,
    %get3A_303 = arith.constant 160 : index
    %get3A_304 = tpu.vector_load %arg19[%get3A_303] {strides = array<i32>} : memref<4992xi32, #tpu.memory_space<vmem>>, vector<16xi32>,
    %gather3A_305 = tpu.vector_load_idx %arg13[%get3A_304] : memref<10240xi32, #tpu.memory_space<vmem>>[vector<16xi32>], vector<16xi32>,
    %swap3A_306 = arith.constant 1 : i32
    %swap3A_307 = arith.index_cast %swap3A_306 : i32 to index
    %swap3A_308 = arith.constant 32 : index
    %swap3A_309 = tpu.vector_load %arg21[%swap3A_307, %swap3A_308] {strides = array<i32>} : memref<39x128xi32, #tpu.memory_space<vmem>>, vector<16xi32>,
    tpu.vector_store %arg21[%swap3A_307, %swap3A_308], %gather3A_305 {strides = array<i32>} : memref<39x128xi32, #tpu.memory_space<vmem>>, vector<16xi32>,
    %get3A_310 = arith.constant 176 : index
    %get3A_311 = tpu.vector_load %arg19[%get3A_310] {strides = array<i32>} : memref<4992xi32, #tpu.memory_space<vmem>>, vector<16xi32>,
    %gather3A_312 = tpu.vector_load_idx %arg13[%get3A_311] : memref<10240xi32, #tpu.memory_space<vmem>>[vector<16xi32>], vector<16xi32>,
    %swap3A_313 = arith.constant 1 : i32
    %swap3A_314 = arith.index_cast %swap3A_313 : i32 to index
    %swap3A_315 = arith.constant 48 : index
    %swap3A_316 = tpu.vector_load %arg21[%swap3A_314, %swap3A_315] {strides = array<i32>} : memref<39x128xi32, #tpu.memory_space<vmem>>, vector<16xi32>,
    tpu.vector_store %arg21[%swap3A_314, %swap3A_315], %gather3A_312 {strides = array<i32>} : memref<39x128xi32, #tpu.memory_space<vmem>>, vector<16xi32>,
    %get3A_317 = arith.constant 192 : index
    %get3A_318 = tpu.vector_load %arg19[%get3A_317] {strides = array<i32>} : memref<4992xi32, #tpu.memory_space<vmem>>, vector<16xi32>,
    %gather3A_319 = tpu.vector_load_idx %arg13[%get3A_318] : memref<10240xi32, #tpu.memory_space<vmem>>[vector<16xi32>], vector<16xi32>,
    %swap3A_320 = arith.constant 1 : i32
    %swap3A_321 = arith.index_cast %swap3A_320 : i32 to index
    %swap3A_322 = arith.constant 64 : index
    %swap3A_323 = tpu.vector_load %arg21[%swap3A_321, %swap3A_322] {strides = array<i32>} : memref<39x128xi32, #tpu.memory_space<vmem>>, vector<16xi32>,
    tpu.vector_store %arg21[%swap3A_321, %swap3A_322], %gather3A_319 {strides = array<i32>} : memref<39x128xi32, #tpu.memory_space<vmem>>, vector<16xi32>,
    %get3A_324 = arith.constant 208 : index
    %get3A_325 = tpu.vector_load %arg19[%get3A_324] {strides = array<i32>} : memref<4992xi32, #tpu.memory_space<vmem>>, vector<16xi32>,
    %gather3A_326 = tpu.vector_load_idx %arg13[%get3A_325] : memref<10240xi32, #tpu.memory_space<vmem>>[vector<16xi32>], vector<16xi32>,
    %swap3A_327 = arith.constant 1 : i32
    %swap3A_328 = arith.index_cast %swap3A_327 : i32 to index
    %swap3A_329 = arith.constant 80 : index
    %swap3A_330 = tpu.vector_load %arg21[%swap3A_328, %swap3A_329] {strides = array<i32>} : memref<39x128xi32, #tpu.memory_space<vmem>>, vector<16xi32>,
    tpu.vector_store %arg21[%swap3A_328, %swap3A_329], %gather3A_326 {strides = array<i32>} : memref<39x128xi32, #tpu.memory_space<vmem>>, vector<16xi32>,
    %get3A_331 = arith.constant 224 : index
    %get3A_332 = tpu.vector_load %arg19[%get3A_331] {strides = array<i32>} : memref<4992xi32, #tpu.memory_space<vmem>>, vector<16xi32>,
    %gather3A_333 = tpu.vector_load_idx %arg13[%get3A_332] : memref<10240xi32, #tpu.memory_space<vmem>>[vector<16xi32>], vector<16xi32>,
    %swap3A_334 = arith.constant 1 : i32
    %swap3A_335 = arith.index_cast %swap3A_334 : i32 to index
    %swap3A_336 = arith.constant 96 : index
    %swap3A_337 = tpu.vector_load %arg21[%swap3A_335, %swap3A_336] {strides = array<i32>} : memref<39x128xi32, #tpu.memory_space<vmem>>, vector<16xi32>,
    tpu.vector_store %arg21[%swap3A_335, %swap3A_336], %gather3A_333 {strides = array<i32>} : memref<39x128xi32, #tpu.memory_space<vmem>>, vector<16xi32>,
    %get3A_338 = arith.constant 240 : index
    %get3A_339 = tpu.vector_load %arg19[%get3A_338] {strides = array<i32>} : memref<4992xi32, #tpu.memory_space<vmem>>, vector<16xi32>,
    %gather3A_340 = tpu.vector_load_idx %arg13[%get3A_339] : memref<10240xi32, #tpu.memory_space<vmem>>[vector<16xi32>], vector<16xi32>,
    %swap3A_341 = arith.constant 1 : i32
    %swap3A_342 = arith.index_cast %swap3A_341 : i32 to index
    %swap3A_343 = arith.constant 112 : index
    %swap3A_344 = tpu.vector_load %arg21[%swap3A_342, %swap3A_343] {strides = array<i32>} : memref<39x128xi32, #tpu.memory_space<vmem>>, vector<16xi32>,
    tpu.vector_store %arg21[%swap3A_342, %swap3A_343], %gather3A_340 {strides = array<i32>} : memref<39x128xi32, #tpu.memory_space<vmem>>, vector<16xi32>,
    %dma_start3A_345 = arith.constant 0 : i32
    %dma_start3A_346 = arith.constant 0 : i32
    %dma_start3A_347 = tpu.memref_slice %arg21[%dma_start3A_345, %dma_start3A_346] : memref<39x128xi32, #tpu.memory_space<vmem>> -> memref<1x128xi32, #tpu.memory_space<vmem>>
    %dma_start3A_348 = tpu.memref_squeeze %dma_start3A_347 : memref<1x128xi32, #tpu.memory_space<vmem>> -> memref<128xi32, #tpu.memory_space<vmem>>
    %dma_start3A_349 = arith.constant 0 : i32
    %dma_start3A_350 = arith.constant 0 : i32
    %dma_start3A_351 = tpu.memref_slice %arg22[%dma_start3A_349, %dma_start3A_350] : memref<6144x128xf32, #tpu.memory_space<vmem_shared>> -> memref<6144x128xf32, #tpu.memory_space<vmem_shared>>
    tpu.enqueue_indirect_dma source(%dma_start3A_351 : memref<6144x128xf32, #tpu.memory_space<vmem_shared>>) target(%arg14 : memref<128x128xf32, #tpu.memory_space<vmem>>) offsets(%dma_start3A_348 : memref<128xi32, #tpu.memory_space<vmem>>) semaphore(%arg26 : memref<!tpu.dma_semaphore, #tpu.memory_space<semaphore_mem>>)
    %dma_start3A_352 = arith.constant 1 : i32
    %dma_start3A_353 = arith.constant 0 : i32
    %dma_start3A_354 = tpu.memref_slice %arg21[%dma_start3A_352, %dma_start3A_353] : memref<39x128xi32, #tpu.memory_space<vmem>> -> memref<1x128xi32, #tpu.memory_space<vmem>>
    %dma_start3A_355 = tpu.memref_squeeze %dma_start3A_354 : memref<1x128xi32, #tpu.memory_space<vmem>> -> memref<128xi32, #tpu.memory_space<vmem>>
    %dma_start3A_356 = arith.constant 0 : i32
    %dma_start3A_357 = arith.constant 0 : i32
    %dma_start3A_358 = tpu.memref_slice %arg22[%dma_start3A_356, %dma_start3A_357] : memref<6144x128xf32, #tpu.memory_space<vmem_shared>> -> memref<6144x128xf32, #tpu.memory_space<vmem_shared>>
    tpu.enqueue_indirect_dma source(%dma_start3A_358 : memref<6144x128xf32, #tpu.memory_space<vmem_shared>>) target(%arg15 : memref<128x128xf32, #tpu.memory_space<vmem>>) offsets(%dma_start3A_355 : memref<128xi32, #tpu.memory_space<vmem>>) semaphore(%arg27 : memref<!tpu.dma_semaphore, #tpu.memory_space<semaphore_mem>>)
    %dma_start3A_359 = arith.constant 0 : i32
    %dma_start3A_360 = arith.constant 0 : i32
    %dma_start3A_361 = tpu.memref_slice %arg21[%dma_start3A_359, %dma_start3A_360] : memref<39x128xi32, #tpu.memory_space<vmem>> -> memref<1x128xi32, #tpu.memory_space<vmem>>
    %dma_start3A_362 = tpu.memref_squeeze %dma_start3A_361 : memref<1x128xi32, #tpu.memory_space<vmem>> -> memref<128xi32, #tpu.memory_space<vmem>>
    %dma_start3A_363 = arith.constant 0 : i32
    %dma_start3A_364 = tpu.memref_slice %arg23[%dma_start3A_363] : memref<6144xf32, #tpu.memory_space<vmem_shared>> -> memref<6144xf32, #tpu.memory_space<vmem_shared>>
    tpu.enqueue_indirect_dma source(%dma_start3A_364 : memref<6144xf32, #tpu.memory_space<vmem_shared>>) target(%arg18 : memref<128xf32, #tpu.memory_space<vmem>>) offsets(%dma_start3A_362 : memref<128xi32, #tpu.memory_space<vmem>>) semaphore(%arg28 : memref<!tpu.dma_semaphore, #tpu.memory_space<semaphore_mem>>)
    %dma_start3A_365 = arith.constant 1 : i32
    %dma_start3A_366 = arith.constant 0 : i32
    %dma_start3A_367 = tpu.memref_slice %arg21[%dma_start3A_365, %dma_start3A_366] : memref<39x128xi32, #tpu.memory_space<vmem>> -> memref<1x128xi32, #tpu.memory_space<vmem>>
    %dma_start3A_368 = tpu.memref_squeeze %dma_start3A_367 : memref<1x128xi32, #tpu.memory_space<vmem>> -> memref<128xi32, #tpu.memory_space<vmem>>
    %dma_start3A_369 = arith.constant 0 : i32
    %dma_start3A_370 = tpu.memref_slice %arg23[%dma_start3A_369] : memref<6144xf32, #tpu.memory_space<vmem_shared>> -> memref<6144xf32, #tpu.memory_space<vmem_shared>>
    tpu.enqueue_indirect_dma source(%dma_start3A_370 : memref<6144xf32, #tpu.memory_space<vmem_shared>>) target(%arg17 : memref<128xf32, #tpu.memory_space<vmem>>) offsets(%dma_start3A_368 : memref<128xi32, #tpu.memory_space<vmem>>) semaphore(%arg29 : memref<!tpu.dma_semaphore, #tpu.memory_space<semaphore_mem>>)
    %dma_wait3A_371 = arith.constant 0 : i32
    %dma_wait3A_372 = arith.constant 0 : i32
    %dma_wait3A_373 = tpu.memref_slice %arg21[%dma_wait3A_371, %dma_wait3A_372] : memref<39x128xi32, #tpu.memory_space<vmem>> -> memref<1x128xi32, #tpu.memory_space<vmem>>
    %dma_wait3A_374 = tpu.memref_squeeze %dma_wait3A_373 : memref<1x128xi32, #tpu.memory_space<vmem>> -> memref<128xi32, #tpu.memory_space<vmem>>
    %dma_wait3A_375 = arith.constant 0 : i32
    %dma_wait3A_376 = arith.constant 0 : i32
    %dma_wait3A_377 = tpu.memref_slice %arg22[%dma_wait3A_375, %dma_wait3A_376] : memref<6144x128xf32, #tpu.memory_space<vmem_shared>> -> memref<6144x128xf32, #tpu.memory_space<vmem_shared>>
    tpu.wait_indirect_dma semaphore(%arg26 : memref<!tpu.dma_semaphore, #tpu.memory_space<semaphore_mem>>) src(%dma_wait3A_377 : memref<6144x128xf32, #tpu.memory_space<vmem_shared>>) dst(%arg14 : memref<128x128xf32, #tpu.memory_space<vmem>>)
    "tpu.region"() ({
      %run_scoped3A = tpu.sem_alloc : memref<!tpu.dma_semaphore, #tpu.memory_space<semaphore_mem>>
      %dma_start3A_407 = arith.constant 0 : i32
      %dma_start3A_408 = tpu.memref_slice %arg7[%arg0, %mul3A_220, %dma_start3A_407] : memref<2x4096x128xf32, #tpu.memory_space<hbm>> -> memref<1x128x128xf32, #tpu.memory_space<hbm>>
      %dma_start3A_409 = tpu.memref_squeeze %dma_start3A_408 : memref<1x128x128xf32, #tpu.memory_space<hbm>> -> memref<128x128xf32, #tpu.memory_space<hbm>>
      %dma_start3A_410 = arith.constant 0 : i32
      %dma_start3A_411 = tpu.memref_slice %arg7[%arg0, %mul3A_220, %dma_start3A_410] : memref<2x4096x128xf32, #tpu.memory_space<hbm>> -> memref<1x128x128xf32, #tpu.memory_space<hbm>>
      %dma_start3A_412 = tpu.memref_squeeze %dma_start3A_411 : memref<1x128x128xf32, #tpu.memory_space<hbm>> -> memref<128x128xf32, #tpu.memory_space<hbm>>
      tpu.enqueue_dma source(%arg14 : memref<128x128xf32, #tpu.memory_space<vmem>>) target(%dma_start3A_412 : memref<128x128xf32, #tpu.memory_space<hbm>>) target_semaphore(%run_scoped3A : memref<!tpu.dma_semaphore, #tpu.memory_space<semaphore_mem>>)
      %dma_wait3A_413 = arith.constant 0 : i32
      %dma_wait3A_414 = tpu.memref_slice %arg7[%arg0, %mul3A_220, %dma_wait3A_413] : memref<2x4096x128xf32, #tpu.memory_space<hbm>> -> memref<1x128x128xf32, #tpu.memory_space<hbm>>
      %dma_wait3A_415 = tpu.memref_squeeze %dma_wait3A_414 : memref<1x128x128xf32, #tpu.memory_space<hbm>> -> memref<128x128xf32, #tpu.memory_space<hbm>>
      %dma_wait3A_416 = arith.constant 0 : i32
      %dma_wait3A_417 = tpu.memref_slice %arg7[%arg0, %mul3A_220, %dma_wait3A_416] : memref<2x4096x128xf32, #tpu.memory_space<hbm>> -> memref<1x128x128xf32, #tpu.memory_space<hbm>>
      %dma_wait3A_418 = tpu.memref_squeeze %dma_wait3A_417 : memref<1x128x128xf32, #tpu.memory_space<hbm>> -> memref<128x128xf32, #tpu.memory_space<hbm>>
      tpu.wait_dma2 semaphore(%run_scoped3A : memref<!tpu.dma_semaphore, #tpu.memory_space<semaphore_mem>>) src(%arg14 : memref<128x128xf32, #tpu.memory_space<vmem>>) dst(%dma_wait3A_418 : memref<128x128xf32, #tpu.memory_space<hbm>>)
      tpu.yield
    }) : () -> ()
    %dma_start3A_378 = arith.constant 0 : i32
    %dma_start3A_379 = arith.constant 0 : i32
    %dma_start3A_380 = tpu.memref_slice %arg6[%dma_start3A_378, %dma_start3A_379] : memref<10000x128xf32, #tpu.memory_space<hbm>> -> memref<10000x128xf32, #tpu.memory_space<hbm>>
    tpu.enqueue_indirect_dma source(%dma_start3A_380 : memref<10000x128xf32, #tpu.memory_space<hbm>>) target(%arg14 : memref<128x128xf32, #tpu.memory_space<vmem>>) offsets(%arg10 : memref<128xi32, #tpu.memory_space<vmem>>) semaphore(%arg26 : memref<!tpu.dma_semaphore, #tpu.memory_space<semaphore_mem>>)
    %dma_wait3A_381 = arith.constant 1 : i32
    %dma_wait3A_382 = arith.constant 0 : i32
    %dma_wait3A_383 = tpu.memref_slice %arg21[%dma_wait3A_381, %dma_wait3A_382] : memref<39x128xi32, #tpu.memory_space<vmem>> -> memref<1x128xi32, #tpu.memory_space<vmem>>
    %dma_wait3A_384 = tpu.memref_squeeze %dma_wait3A_383 : memref<1x128xi32, #tpu.memory_space<vmem>> -> memref<128xi32, #tpu.memory_space<vmem>>
    %dma_wait3A_385 = arith.constant 0 : i32
    %dma_wait3A_386 = arith.constant 0 : i32
    %dma_wait3A_387 = tpu.memref_slice %arg22[%dma_wait3A_385, %dma_wait3A_386] : memref<6144x128xf32, #tpu.memory_space<vmem_shared>> -> memref<6144x128xf32, #tpu.memory_space<vmem_shared>>
    tpu.wait_indirect_dma semaphore(%arg27 : memref<!tpu.dma_semaphore, #tpu.memory_space<semaphore_mem>>) src(%dma_wait3A_387 : memref<6144x128xf32, #tpu.memory_space<vmem_shared>>) dst(%arg15 : memref<128x128xf32, #tpu.memory_space<vmem>>)
    %add3A_388 = arith.constant 128 : i32
    %add3A_389 = arith.addi %mul3A_220, %add3A_388 : i32
    "tpu.region"() ({
      %run_scoped3A = tpu.sem_alloc : memref<!tpu.dma_semaphore, #tpu.memory_space<semaphore_mem>>
      %dma_start3A_407 = arith.constant 0 : i32
      %dma_start3A_408 = tpu.memref_slice %arg7[%arg0, %add3A_389, %dma_start3A_407] : memref<2x4096x128xf32, #tpu.memory_space<hbm>> -> memref<1x128x128xf32, #tpu.memory_space<hbm>>
      %dma_start3A_409 = tpu.memref_squeeze %dma_start3A_408 : memref<1x128x128xf32, #tpu.memory_space<hbm>> -> memref<128x128xf32, #tpu.memory_space<hbm>>
      %dma_start3A_410 = arith.constant 0 : i32
      %dma_start3A_411 = tpu.memref_slice %arg7[%arg0, %add3A_389, %dma_start3A_410] : memref<2x4096x128xf32, #tpu.memory_space<hbm>> -> memref<1x128x128xf32, #tpu.memory_space<hbm>>
      %dma_start3A_412 = tpu.memref_squeeze %dma_start3A_411 : memref<1x128x128xf32, #tpu.memory_space<hbm>> -> memref<128x128xf32, #tpu.memory_space<hbm>>
      tpu.enqueue_dma source(%arg15 : memref<128x128xf32, #tpu.memory_space<vmem>>) target(%dma_start3A_412 : memref<128x128xf32, #tpu.memory_space<hbm>>) target_semaphore(%run_scoped3A : memref<!tpu.dma_semaphore, #tpu.memory_space<semaphore_mem>>)
      %dma_wait3A_413 = arith.constant 0 : i32
      %dma_wait3A_414 = tpu.memref_slice %arg7[%arg0, %add3A_389, %dma_wait3A_413] : memref<2x4096x128xf32, #tpu.memory_space<hbm>> -> memref<1x128x128xf32, #tpu.memory_space<hbm>>
      %dma_wait3A_415 = tpu.memref_squeeze %dma_wait3A_414 : memref<1x128x128xf32, #tpu.memory_space<hbm>> -> memref<128x128xf32, #tpu.memory_space<hbm>>
      %dma_wait3A_416 = arith.constant 0 : i32
      %dma_wait3A_417 = tpu.memref_slice %arg7[%arg0, %add3A_389, %dma_wait3A_416] : memref<2x4096x128xf32, #tpu.memory_space<hbm>> -> memref<1x128x128xf32, #tpu.memory_space<hbm>>
      %dma_wait3A_418 = tpu.memref_squeeze %dma_wait3A_417 : memref<1x128x128xf32, #tpu.memory_space<hbm>> -> memref<128x128xf32, #tpu.memory_space<hbm>>
      tpu.wait_dma2 semaphore(%run_scoped3A : memref<!tpu.dma_semaphore, #tpu.memory_space<semaphore_mem>>) src(%arg15 : memref<128x128xf32, #tpu.memory_space<vmem>>) dst(%dma_wait3A_418 : memref<128x128xf32, #tpu.memory_space<hbm>>)
      tpu.yield
    }) : () -> ()
    %dma_wait3A_390 = arith.constant 0 : i32
    %dma_wait3A_391 = arith.constant 0 : i32
    %dma_wait3A_392 = tpu.memref_slice %arg21[%dma_wait3A_390, %dma_wait3A_391] : memref<39x128xi32, #tpu.memory_space<vmem>> -> memref<1x128xi32, #tpu.memory_space<vmem>>
    %dma_wait3A_393 = tpu.memref_squeeze %dma_wait3A_392 : memref<1x128xi32, #tpu.memory_space<vmem>> -> memref<128xi32, #tpu.memory_space<vmem>>
    %dma_wait3A_394 = arith.constant 0 : i32
    %dma_wait3A_395 = tpu.memref_slice %arg23[%dma_wait3A_394] : memref<6144xf32, #tpu.memory_space<vmem_shared>> -> memref<6144xf32, #tpu.memory_space<vmem_shared>>
    tpu.wait_indirect_dma semaphore(%arg28 : memref<!tpu.dma_semaphore, #tpu.memory_space<semaphore_mem>>) src(%dma_wait3A_395 : memref<6144xf32, #tpu.memory_space<vmem_shared>>) dst(%arg18 : memref<128xf32, #tpu.memory_space<vmem>>)
    "tpu.region"() ({
      %run_scoped3A = tpu.sem_alloc : memref<!tpu.dma_semaphore, #tpu.memory_space<semaphore_mem>>
      %dma_start3A_407 = tpu.memref_slice %arg8[%arg0, %mul3A_220] : memref<2x4096xf32, #tpu.memory_space<hbm>> -> memref<1x128xf32, #tpu.memory_space<hbm>>
      %dma_start3A_408 = tpu.memref_squeeze %dma_start3A_407 : memref<1x128xf32, #tpu.memory_space<hbm>> -> memref<128xf32, #tpu.memory_space<hbm>>
      %dma_start3A_409 = tpu.memref_slice %arg8[%arg0, %mul3A_220] : memref<2x4096xf32, #tpu.memory_space<hbm>> -> memref<1x128xf32, #tpu.memory_space<hbm>>
      %dma_start3A_410 = tpu.memref_squeeze %dma_start3A_409 : memref<1x128xf32, #tpu.memory_space<hbm>> -> memref<128xf32, #tpu.memory_space<hbm>>
      tpu.enqueue_dma source(%arg18 : memref<128xf32, #tpu.memory_space<vmem>>) target(%dma_start3A_410 : memref<128xf32, #tpu.memory_space<hbm>>) target_semaphore(%run_scoped3A : memref<!tpu.dma_semaphore, #tpu.memory_space<semaphore_mem>>)
      %dma_wait3A_411 = tpu.memref_slice %arg8[%arg0, %mul3A_220] : memref<2x4096xf32, #tpu.memory_space<hbm>> -> memref<1x128xf32, #tpu.memory_space<hbm>>
      %dma_wait3A_412 = tpu.memref_squeeze %dma_wait3A_411 : memref<1x128xf32, #tpu.memory_space<hbm>> -> memref<128xf32, #tpu.memory_space<hbm>>
      %dma_wait3A_413 = tpu.memref_slice %arg8[%arg0, %mul3A_220] : memref<2x4096xf32, #tpu.memory_space<hbm>> -> memref<1x128xf32, #tpu.memory_space<hbm>>
      %dma_wait3A_414 = tpu.memref_squeeze %dma_wait3A_413 : memref<1x128xf32, #tpu.memory_space<hbm>> -> memref<128xf32, #tpu.memory_space<hbm>>
      tpu.wait_dma2 semaphore(%run_scoped3A : memref<!tpu.dma_semaphore, #tpu.memory_space<semaphore_mem>>) src(%arg18 : memref<128xf32, #tpu.memory_space<vmem>>) dst(%dma_wait3A_414 : memref<128xf32, #tpu.memory_space<hbm>>)
      tpu.yield
    }) : () -> ()
    %dma_wait3A_396 = arith.constant 1 : i32
    %dma_wait3A_397 = arith.constant 0 : i32
    %dma_wait3A_398 = tpu.memref_slice %arg21[%dma_wait3A_396, %dma_wait3A_397] : memref<39x128xi32, #tpu.memory_space<vmem>> -> memref<1x128xi32, #tpu.memory_space<vmem>>
    %dma_wait3A_399 = tpu.memref_squeeze %dma_wait3A_398 : memref<1x128xi32, #tpu.memory_space<vmem>> -> memref<128xi32, #tpu.memory_space<vmem>>
    %dma_wait3A_400 = arith.constant 0 : i32
    %dma_wait3A_401 = tpu.memref_slice %arg23[%dma_wait3A_400] : memref<6144xf32, #tpu.memory_space<vmem_shared>> -> memref<6144xf32, #tpu.memory_space<vmem_shared>>
    tpu.wait_indirect_dma semaphore(%arg29 : memref<!tpu.dma_semaphore, #tpu.memory_space<semaphore_mem>>) src(%dma_wait3A_401 : memref<6144xf32, #tpu.memory_space<vmem_shared>>) dst(%arg17 : memref<128xf32, #tpu.memory_space<vmem>>)
    %add3A_402 = arith.constant 128 : i32
    %add3A_403 = arith.addi %mul3A_220, %add3A_402 : i32
    "tpu.region"() ({
      %run_scoped3A = tpu.sem_alloc : memref<!tpu.dma_semaphore, #tpu.memory_space<semaphore_mem>>
      %dma_start3A_407 = tpu.memref_slice %arg8[%arg0, %add3A_403] : memref<2x4096xf32, #tpu.memory_space<hbm>> -> memref<1x128xf32, #tpu.memory_space<hbm>>
      %dma_start3A_408 = tpu.memref_squeeze %dma_start3A_407 : memref<1x128xf32, #tpu.memory_space<hbm>> -> memref<128xf32, #tpu.memory_space<hbm>>
      %dma_start3A_409 = tpu.memref_slice %arg8[%arg0, %add3A_403] : memref<2x4096xf32, #tpu.memory_space<hbm>> -> memref<1x128xf32, #tpu.memory_space<hbm>>
      %dma_start3A_410 = tpu.memref_squeeze %dma_start3A_409 : memref<1x128xf32, #tpu.memory_space<hbm>> -> memref<128xf32, #tpu.memory_space<hbm>>
      tpu.enqueue_dma source(%arg17 : memref<128xf32, #tpu.memory_space<vmem>>) target(%dma_start3A_410 : memref<128xf32, #tpu.memory_space<hbm>>) target_semaphore(%run_scoped3A : memref<!tpu.dma_semaphore, #tpu.memory_space<semaphore_mem>>)
      %dma_wait3A_411 = tpu.memref_slice %arg8[%arg0, %add3A_403] : memref<2x4096xf32, #tpu.memory_space<hbm>> -> memref<1x128xf32, #tpu.memory_space<hbm>>
      %dma_wait3A_412 = tpu.memref_squeeze %dma_wait3A_411 : memref<1x128xf32, #tpu.memory_space<hbm>> -> memref<128xf32, #tpu.memory_space<hbm>>
      %dma_wait3A_413 = tpu.memref_slice %arg8[%arg0, %add3A_403] : memref<2x4096xf32, #tpu.memory_space<hbm>> -> memref<1x128xf32, #tpu.memory_space<hbm>>
      %dma_wait3A_414 = tpu.memref_squeeze %dma_wait3A_413 : memref<1x128xf32, #tpu.memory_space<hbm>> -> memref<128xf32, #tpu.memory_space<hbm>>
      tpu.wait_dma2 semaphore(%run_scoped3A : memref<!tpu.dma_semaphore, #tpu.memory_space<semaphore_mem>>) src(%arg17 : memref<128xf32, #tpu.memory_space<vmem>>) dst(%dma_wait3A_414 : memref<128xf32, #tpu.memory_space<hbm>>)
      tpu.yield
    }) : () -> ()
    %dma_wait3A_404 = arith.constant 0 : i32
    %dma_wait3A_405 = arith.constant 0 : i32
    %dma_wait3A_406 = tpu.memref_slice %arg6[%dma_wait3A_404, %dma_wait3A_405] : memref<10000x128xf32, #tpu.memory_space<hbm>> -> memref<10000x128xf32, #tpu.memory_space<hbm>>
    tpu.wait_indirect_dma semaphore(%arg26 : memref<!tpu.dma_semaphore, #tpu.memory_space<semaphore_mem>>) src(%dma_wait3A_406 : memref<10000x128xf32, #tpu.memory_space<hbm>>) dst(%arg14 : memref<128x128xf32, #tpu.memory_space<vmem>>)
    "tpu.region"() ({
      %run_scoped3A = tpu.sem_alloc : memref<!tpu.dma_semaphore, #tpu.memory_space<semaphore_mem>>
      %dma_start3A_407 = arith.constant 0 : i32
      %dma_start3A_408 = tpu.memref_slice %arg9[%mul3A_222, %dma_start3A_407] : memref<4096x128xf32, #tpu.memory_space<hbm>> -> memref<128x128xf32, #tpu.memory_space<hbm>>
      %dma_start3A_409 = arith.constant 0 : i32
      %dma_start3A_410 = tpu.memref_slice %arg9[%mul3A_222, %dma_start3A_409] : memref<4096x128xf32, #tpu.memory_space<hbm>> -> memref<128x128xf32, #tpu.memory_space<hbm>>
      tpu.enqueue_dma source(%arg14 : memref<128x128xf32, #tpu.memory_space<vmem>>) target(%dma_start3A_410 : memref<128x128xf32, #tpu.memory_space<hbm>>) target_semaphore(%run_scoped3A : memref<!tpu.dma_semaphore, #tpu.memory_space<semaphore_mem>>)
      %dma_wait3A_411 = arith.constant 0 : i32
      %dma_wait3A_412 = tpu.memref_slice %arg9[%mul3A_222, %dma_wait3A_411] : memref<4096x128xf32, #tpu.memory_space<hbm>> -> memref<128x128xf32, #tpu.memory_space<hbm>>
      %dma_wait3A_413 = arith.constant 0 : i32
      %dma_wait3A_414 = tpu.memref_slice %arg9[%mul3A_222, %dma_wait3A_413] : memref<4096x128xf32, #tpu.memory_space<hbm>> -> memref<128x128xf32, #tpu.memory_space<hbm>>
      tpu.wait_dma2 semaphore(%run_scoped3A : memref<!tpu.dma_semaphore, #tpu.memory_space<semaphore_mem>>) src(%arg14 : memref<128x128xf32, #tpu.memory_space<vmem>>) dst(%dma_wait3A_414 : memref<128x128xf32, #tpu.memory_space<hbm>>)
      tpu.yield
    }) : () -> ()
    return
  }
}

module attributes {stable_mosaic.version = 14 : i64} {
  func.func @_mm_body(%arg0: i32, %arg1: memref<1000x256xf32, #tpu.memory_space<vmem>>, %arg2: memref<128x512xf32, #tpu.memory_space<vmem>>, %arg3: memref<1000x128xf32, #tpu.memory_space<vmem>>, %arg4: memref<1000x128xf32, #tpu.memory_space<vmem>>) attributes {dimension_semantics = [#tpu.dimension_semantics<arbitrary>], iteration_bounds = array<i64: 10>, scalar_prefetch = 0 : i64, scratch_operands = 0 : i64, tpu.core_type = #tpu.core_type<tc>, window_params = [{transform_indices = @transform_0, window_bounds = array<i64: 1000, 256>}, {pipeline_mode = #tpu.pipeline_mode<synchronous>, transform_indices = @transform_1, window_bounds = array<i64: 128, 512>}, {transform_indices = @transform_2, window_bounds = array<i64: 1000, 128>}, {transform_indices = @transform_3, window_bounds = array<i64: 1000, 128>}]} {
    %get3A = arith.constant 0 : index
    %get3A_0 = arith.constant 0 : index
    %get3A_1 = vector.load %arg1[%get3A, %get3A_0] : memref<1000x256xf32, #tpu.memory_space<vmem>>, vector<1000x256xf32>
    %get3A_2 = arith.constant 0 : index
    %get3A_3 = arith.constant 0 : index
    %get3A_4 = vector.load %arg2[%get3A_2, %get3A_3] : memref<128x512xf32, #tpu.memory_space<vmem>>, vector<128x512xf32>
    %slice3A = vector.extract_strided_slice %get3A_4 {offsets = [0, 0], sizes = [128, 256], strides = [1, 1]} : vector<128x512xf32> to vector<128x256xf32>
    %dot_general3A = arith.constant dense<0.000000e+00> : vector<1000x128xf32>
    %dot_general3A_5 = tpu.matmul %get3A_1, %slice3A, %dot_general3A {dimension_numbers = #tpu.dot_dimension_numbers<[1], [1], [0], [0], [0, 0, 1, 0], [], []>, transpose_lhs_hint = false} : vector<1000x256xf32>, vector<128x256xf32>, vector<1000x128xf32> -> vector<1000x128xf32>
    %swap3A = arith.constant 0 : index
    %swap3A_6 = arith.constant 0 : index
    %swap3A_7 = vector.load %arg3[%swap3A, %swap3A_6] : memref<1000x128xf32, #tpu.memory_space<vmem>>, vector<1000x128xf32>
    tpu.vector_store %arg3[%swap3A, %swap3A_6], %dot_general3A_5 {strides = array<i32>} : memref<1000x128xf32, #tpu.memory_space<vmem>>, vector<1000x128xf32>,
    %slice3A_8 = vector.extract_strided_slice %get3A_4 {offsets = [0, 256], sizes = [128, 256], strides = [1, 1]} : vector<128x512xf32> to vector<128x256xf32>
    %dot_general3A_9 = arith.constant dense<0.000000e+00> : vector<1000x128xf32>
    %dot_general3A_10 = tpu.matmul %get3A_1, %slice3A_8, %dot_general3A_9 {dimension_numbers = #tpu.dot_dimension_numbers<[1], [1], [0], [0], [0, 0, 1, 0], [], []>, transpose_lhs_hint = false} : vector<1000x256xf32>, vector<128x256xf32>, vector<1000x128xf32> -> vector<1000x128xf32>
    %swap3A_11 = arith.constant 0 : index
    %swap3A_12 = arith.constant 0 : index
    %swap3A_13 = vector.load %arg4[%swap3A_11, %swap3A_12] : memref<1000x128xf32, #tpu.memory_space<vmem>>, vector<1000x128xf32>
    tpu.vector_store %arg4[%swap3A_11, %swap3A_12], %dot_general3A_10 {strides = array<i32>} : memref<1000x128xf32, #tpu.memory_space<vmem>>, vector<1000x128xf32>,
    return
  }
  func.func @transform_0(%arg0: i32) -> (i32, i32) {
    %c0_i32 = arith.constant 0 : i32
    %c0_i32_0 = arith.constant 0 : i32
    return %arg0, %c0_i32 : i32, i32
  }
  func.func @transform_1(%arg0: i32) -> (i32, i32) {
    %c0_i32 = arith.constant 0 : i32
    %c0_i32_0 = arith.constant 0 : i32
    %c0_i32_1 = arith.constant 0 : i32
    return %c0_i32, %c0_i32_0 : i32, i32
  }
  func.func @transform_2(%arg0: i32) -> (i32, i32) {
    %c0_i32 = arith.constant 0 : i32
    %c0_i32_0 = arith.constant 0 : i32
    return %arg0, %c0_i32 : i32, i32
  }
  func.func @transform_3(%arg0: i32) -> (i32, i32) {
    %c0_i32 = arith.constant 0 : i32
    %c0_i32_0 = arith.constant 0 : i32
    return %arg0, %c0_i32 : i32, i32
  }
}

module attributes {stable_mosaic.version = 14 : i64} {
  func.func @_combine_body(%arg0: i32, %arg1: memref<1024x128xf32, #tpu.memory_space<vmem>>, %arg2: memref<1024x128xf32, #tpu.memory_space<vmem>>, %arg3: memref<1024x128xf32, #tpu.memory_space<vmem>>, %arg4: memref<1024xf32, #tpu.memory_space<vmem>>, %arg5: memref<1024xf32, #tpu.memory_space<vmem>>, %arg6: memref<1024x128xf32, #tpu.memory_space<vmem>>) attributes {dimension_semantics = [#tpu.dimension_semantics<arbitrary>], iteration_bounds = array<i64: 4>, scalar_prefetch = 0 : i64, scratch_operands = 0 : i64, tpu.core_type = #tpu.core_type<tc>, window_params = [{transform_indices = @transform_0, window_bounds = array<i64: 1024, 128>}, {transform_indices = @transform_1, window_bounds = array<i64: 1024, 128>}, {transform_indices = @transform_2, window_bounds = array<i64: 1024, 128>}, {transform_indices = @transform_3, window_bounds = array<i64: 1024>}, {transform_indices = @transform_4, window_bounds = array<i64: 1024>}, {transform_indices = @transform_5, window_bounds = array<i64: 1024, 128>}]} {
    %get3A = arith.constant 0 : index
    %get3A_0 = vector.load %arg4[%get3A] : memref<1024xf32, #tpu.memory_space<vmem>>, vector<1024xf32>
    %get3A_1 = arith.constant 0 : index
    %get3A_2 = vector.load %arg5[%get3A_1] : memref<1024xf32, #tpu.memory_space<vmem>>, vector<1024xf32>
    %add3A = arith.addf %get3A_0, %get3A_2 : vector<1024xf32>
    %max3A = arith.constant 1.000000e+00 : f32
    %max3A_3 = vector.broadcast %max3A : f32 to vector<1024xf32>
    %max3A_4 = arith.maximumf %add3A, %max3A_3 : vector<1024xf32>
    %get3A_5 = arith.constant 0 : index
    %get3A_6 = arith.constant 0 : index
    %get3A_7 = vector.load %arg2[%get3A_5, %get3A_6] : memref<1024x128xf32, #tpu.memory_space<vmem>>, vector<1024x128xf32>
    %get3A_8 = arith.constant 0 : index
    %get3A_9 = arith.constant 0 : index
    %get3A_10 = vector.load %arg3[%get3A_8, %get3A_9] : memref<1024x128xf32, #tpu.memory_space<vmem>>, vector<1024x128xf32>
    %add3A_11 = arith.addf %get3A_7, %get3A_10 : vector<1024x128xf32>
    %broadcast_in_dim3A = vector.shape_cast %max3A_4 : vector<1024xf32> to vector<1024x1xf32>
    %div3A = vector.broadcast %broadcast_in_dim3A : vector<1024x1xf32> to vector<1024x128xf32>
    %div3A_12 = arith.divf %add3A_11, %div3A : vector<1024x128xf32>
    %get3A_13 = arith.constant 0 : index
    %get3A_14 = arith.constant 0 : index
    %get3A_15 = vector.load %arg1[%get3A_13, %get3A_14] : memref<1024x128xf32, #tpu.memory_space<vmem>>, vector<1024x128xf32>
    %add3A_16 = arith.addf %get3A_15, %div3A_12 : vector<1024x128xf32>
    %max3A_17 = arith.constant 0.000000e+00 : f32
    %max3A_18 = vector.broadcast %max3A_17 : f32 to vector<1024x128xf32>
    %max3A_19 = arith.maximumf %add3A_16, %max3A_18 : vector<1024x128xf32>
    %swap3A = arith.constant 0 : index
    %swap3A_20 = arith.constant 0 : index
    %swap3A_21 = vector.load %arg6[%swap3A, %swap3A_20] : memref<1024x128xf32, #tpu.memory_space<vmem>>, vector<1024x128xf32>
    tpu.vector_store %arg6[%swap3A, %swap3A_20], %max3A_19 {strides = array<i32>} : memref<1024x128xf32, #tpu.memory_space<vmem>>, vector<1024x128xf32>,
    return
  }
  func.func @transform_0(%arg0: i32) -> (i32, i32) {
    %c0_i32 = arith.constant 0 : i32
    %c0_i32_0 = arith.constant 0 : i32
    return %arg0, %c0_i32 : i32, i32
  }
  func.func @transform_1(%arg0: i32) -> (i32, i32) {
    %c0_i32 = arith.constant 0 : i32
    %c0_i32_0 = arith.constant 0 : i32
    return %arg0, %c0_i32 : i32, i32
  }
  func.func @transform_2(%arg0: i32) -> (i32, i32) {
    %c0_i32 = arith.constant 0 : i32
    %c0_i32_0 = arith.constant 0 : i32
    return %arg0, %c0_i32 : i32, i32
  }
  func.func @transform_3(%arg0: i32) -> i32 {
    %c0_i32 = arith.constant 0 : i32
    return %arg0 : i32
  }
  func.func @transform_4(%arg0: i32) -> i32 {
    %c0_i32 = arith.constant 0 : i32
    return %arg0 : i32
  }
  func.func @transform_5(%arg0: i32) -> (i32, i32) {
    %c0_i32 = arith.constant 0 : i32
    %c0_i32_0 = arith.constant 0 : i32
    return %arg0, %c0_i32 : i32, i32
  }
}

</mosaic_0001>

<sc_bundles>
// kernel: kernel.5.cloned.1.call-start
scs
__scs_entry_jumppad:
0x0: {  	(pc) =	sbr.rel $0x88, $3  }
0x1: {  	(tag) =	ssettag $0x0;
	lr =	simm.s32 $0x1  }
0x2: {  	[smem:$0x3F9D] =	sst lr;
	_ =	strace $0xD0000000  }
0x3: {  	_ = 	snop  }
0x4: {  	_ = 	snop  }
0x5: {  	_ = 	snop  }
0x6: {  	_ = 	snop  }
0x7: {  	_ = 	snop  }
__scs_overlays_trampoline_lowered:
0x8: {  	[smem:$0x3FAC] =	sst s0  }
0x9: {  	[smem:$0x3FAD] =	sst s1  }
0xa: {  	[smem:$0x3FAE] =	sst s2  }
0xb: {  	[smem:$0x3FAF] =	sst s3  }
0xc: {  	[smem:$0x3FB0] =	sst s4  }
0xd: {  	[smem:$0x3FB1] =	sst s5  }
0xe: {  	[smem:$0x3FB2] =	sst s6  }
0xf: {  	[smem:$0x3FB3] =	sst s7  }
0x10: {  	[smem:$0x3FB4] =	sst s8  }
0x11: {  	[smem:$0x3FB5] =	sst s9;
	s0 =	simm.s32 @!p0 $0x0  }
0x12: {  	s1 =	sld [smem:$0x3F9B];
	s0 =	simm.s32 @p0 $0x1  }
0x13: {  	[smem:$0x3FB6] =	sst s0;
	s0 =	simm.s32 @!p1 $0x0  }
0x14: {  	s2 =	sld [smem:$0x3F9A];
	s0 =	simm.s32 @p1 $0x1  }
0x15: {  	[smem:$0x3FB7] =	sst s0;
	s0 =	simm.s32 @!p2 $0x0  }
0x16: {  	s3 =	sld [smem:$0x3FDB];
	s0 =	simm.s32 @p2 $0x1  }
0x17: {  	s4 =	simm.s32 $0x1BF5;
	[smem:$0x3FB9] =	sst s0  }
0x18: {  	s0 =	sld [smem:$0x3F9C];
	_ =	swait.ge [sflag:s4], $0x0  }
0x19: {  	s7 =	sld [smem:$0x3F9D]  }
0x1a: {  	s8 =	sadd.s32 $0xFFFFE003, lr  }
0x1b: {  	s9 =	sadd.s32 $0xFFFFFEF7, lr;
	s5 =	simm.s32 $0xFFFFFFFF;
	p2 =	slt.u32 s8, $0xFFFFF086  }
0x1c: {  	p1 =	slt.u32 s9, $0xF7A;
	s5 =	simm.s32 @!p2 $0x0  }
0x1d: {  	s5 =	simm.s32 @p1 $0x1;
	p0 =	seq.s32 s7, s2  }
0x1e: {  	s7 =	smul.u32 @!p0 $0xF7A, s2;
	p2 =	seq.s32 @!p0 s5, $0x0  }
0x1f: {  	s9 =	smul.u32 $0xF7A, s1;
	s8 =	simm.s32 @!p0 $0x1BF5;
	p2 =	por !p2, p0  }
0x20: {  	[sflag:s8] =	ssyncset.s32 @!p0 $0xFFFFF086;
	s6 =	sadd.s32 @!p0 s3, s7;
	s7 =	simm.s32 @!p0 $0x108  }
0x21: {  	s3 =	sadd.s32 s3, s9;
	s6 =	sadd.s32 @!p0 $0x88, s6;
	s7 =	simm.s32 @p2 $0x1082  }
0x22: {  	[simem:s7], [sflag:s8] =	dma.local @!p0 [hbm:s6], $0xF7A  }
0x23: {  	s9 =	sor.u32 $0xD0000000, s2;
	s6 =	simm.s32 $0x108;
	_ =	swait.ge @!p0 [sflag:s8], $0x0  }
0x24: {  	s3 =	sadd.s32 $0x88, s3;
	s6 =	simm.s32 @!p1 $0x1082;
	[sflag:s4] =	ssyncset.s32 $0xFFFFF086  }
0x25: {  	[simem:s6], [sflag:s4] =	dma.local [hbm:s3], $0xF7A  }
0x26: {  	[smem:$0x3F9D] =	sst s1;
	(tag) =	ssettag s2;
	_ =	strace s9  }
0x27: {  	s1 =	sld [smem:$0x3FAD]  }
0x28: {  	s2 =	sld [smem:$0x3FAE]  }
0x29: {  	s4 =	sld [smem:$0x3FB0]  }
0x2a: {  	p0 =	seq.s32 s5, $0x0;
	s5 =	sld [smem:$0x3FB1]  }
0x2b: {  	s6 =	sld [smem:$0x3FB2]  }
0x2c: {  	s7 =	sld [smem:$0x3FB3]  }
0x2d: {  	s3 =	simm.s32 $0x108;
	s8 =	sld [smem:$0x3FB4]  }
0x2e: {  	s3 =	simm.s32 @!p0 $0x1082;
	s9 =	sld [smem:$0x3FB5]  }
0x2f: {  	lr =	sadd.s32 s0, s3;
	s0 =	sld [smem:$0x3FAC]  }
0x30: {  	s3 =	sld [smem:$0x3FAF]  }
0x31: {  	[smem:$0x3FB8] =	sst s10  }
0x32: {  	s10 =	sld [smem:$0x3FB6];
	_ =	sdelay $0x3  }
0x33: {  	p0 =	seq.s32 s10, $0x1;
	s10 =	sld [smem:$0x3FB8];
	_ =	sdelay $0x3  }
0x34: {  	[smem:$0x3FB8] =	sst s10  }
0x35: {  	s10 =	sld [smem:$0x3FB7];
	_ =	sdelay $0x3  }
0x36: {  	p1 =	seq.s32 s10, $0x1;
	s10 =	sld [smem:$0x3FB8];
	_ =	sdelay $0x3  }
0x37: {  	[smem:$0x3FB8] =	sst s10  }
0x38: {  	s10 =	sld [smem:$0x3FB9]  }
0x39: {  	_ = 	snop;
	(pc) =	sbr.ind lr, $3  }
0x3a: {  	_ = 	snop  }
0x3b: {  	_ = 	snop  }
0x3c: {  	p2 =	seq.s32 s10, $0x1;
	s10 =	sld [smem:$0x3FB8]  }
0x3d: {  	_ =	shalt  }
0x3e: {  	_ =	shalt  }
0x3f: {  	_ =	shalt  }
0x40: {  	_ =	shalt  }
0x41: {  	_ =	shalt  }
0x42: {  	_ =	shalt  }
0x43: {  	_ =	shalt  }
0x44: {  	_ =	shalt  }
0x45: {  	_ =	shalt  }
0x46: {  	_ =	shalt  }
0x47: {  	_ =	shalt  }
0x48: {  	_ =	shalt  }
0x49: {  	_ =	shalt  }
0x4a: {  	_ =	shalt  }
0x4b: {  	_ =	shalt  }
0x4c: {  	_ =	shalt  }
0x4d: {  	_ =	shalt  }
0x4e: {  	_ =	shalt  }
0x4f: {  	_ =	shalt  }
0x50: {  	_ =	shalt  }
0x51: {  	_ =	shalt  }
0x52: {  	_ =	shalt  }
0x53: {  	_ =	shalt  }
0x54: {  	_ =	shalt  }
0x55: {  	_ =	shalt  }
0x56: {  	_ =	shalt  }
0x57: {  	_ =	shalt  }
0x58: {  	_ =	shalt  }
0x59: {  	_ =	shalt  }
0x5a: {  	_ =	shalt  }
0x5b: {  	_ =	shalt  }
0x5c: {  	_ =	shalt  }
0x5d: {  	_ =	shalt  }
0x5e: {  	_ =	shalt  }
0x5f: {  	_ =	shalt  }
0x60: {  	_ =	shalt  }
0x61: {  	_ =	shalt  }
0x62: {  	_ =	shalt  }
0x63: {  	_ =	shalt  }
0x64: {  	_ =	shalt  }
0x65: {  	_ =	shalt  }
0x66: {  	_ =	shalt  }
0x67: {  	_ =	shalt  }
0x68: {  	_ =	shalt  }
0x69: {  	_ =	shalt  }
0x6a: {  	_ =	shalt  }
0x6b: {  	_ =	shalt  }
0x6c: {  	_ =	shalt  }
0x6d: {  	_ =	shalt  }
0x6e: {  	_ =	shalt  }
0x6f: {  	_ =	shalt  }
0x70: {  	_ =	shalt  }
0x71: {  	_ =	shalt  }
0x72: {  	_ =	shalt  }
0x73: {  	_ =	shalt  }
0x74: {  	_ =	shalt  }
0x75: {  	_ =	shalt  }
0x76: {  	_ =	shalt  }
0x77: {  	_ =	shalt  }
0x78: {  	_ =	shalt  }
0x79: {  	_ =	shalt  }
0x7a: {  	_ =	shalt  }
0x7b: {  	_ =	shalt  }
0x7c: {  	_ =	shalt  }
0x7d: {  	_ =	shalt  }
0x7e: {  	_ =	shalt  }
0x7f: {  	_ =	shalt  }
0x80: {  	_ =	shalt  }
0x81: {  	_ =	shalt  }
0x82: {  	_ =	shalt  }
0x83: {  	_ =	shalt  }
0x84: {  	_ =	shalt  }
0x85: {  	_ =	shalt  }
0x86: {  	_ =	shalt  }
0x87: {  	_ =	shalt  }
.Lfunc_end0:
.L_simem_size_0:
called_computation_lowered:
.L_overlay_start_0:
0x88: {  	s2 =	sld [smem:$0x3FD9]  }
0x89: {  	s3 =	sld [smem:$0x3FFE];
	_ =	sdelay $0x1  }
0x8a: {  	s1 =	srdreg.scid  }
0x8b: {  	s0 =	sand.u32 $0x1, s1  }
0x8c: {  	s17 =	sshll.u32 s0, $0xA;
	s2 =	sadd.s32 s3, s2  }
0x8d: {  	s2 =	sadd.s32 s2, s17  }
0x8e: {  	[smem:$0x3FC4] =	sst s2  }
0x8f: {  	_ = 	snop  }
0x90: {  	s2 =	sld [smem:$0x3FC9]  }
0x91: {  	s18 =	sld [smem:$0x3FD0];
	(tm) =	ssettm $0x1  }
0x92: {  	s4 =	sld [smem:$0x3FFB];
	_ =	sdelay $0x3  }
0x93: {  	_ =	strace s4  }
0x94: {  	s4 =	sld [smem:$0x3FFC];
	_ =	sdelay $0x3  }
0x95: {  	_ =	strace s4  }
0x96: {  	s4 =	sld [smem:$0x3FFD];
	_ =	sdelay $0x3  }
0x97: {  	_ =	strace s4  }
0x98: {  	_ =	strace $0x8FFFFFFF  }
0x99: {  	s19 =	sld [smem:$0x3FDB];
	_ =	sdelay $0x1  }
0x9a: {  	s5 =	simm.s32 $_scs_section_size  }
0x9b: {  	s6 =	simm.s32 $_size__tile_overlayer_lowered;
	s7 =	simm.s32 $_tile_overlayer_lowered  }
0x9c: {  	s22 =	simm.s32 $0x1BFF;
	s21 =	sshll.u32 s7, $0x1;
	s4 =	sadd.s32 s5, s19  }
0x9d: {  	s8 =	simm.s32 $0x0;
	s20 =	sshll.u32 s6, $0x1;
	s6 =	sadd.s32 s21, s4  }
0x9e: {  	[timem:s8], [sflag:s22] =	dma.local [hbm:s6], s20  }
0x9f: {  	_ =	swait.ge [sflag:s22], s20  }
0xa0: {  	s5 =	ssub.s32 $0x0, s20;
	[sflag:s22] =	ssyncset.done $0x0  }
0xa1: {  	[sflag:s22] =	ssyncadd.s32 s5;
	_ =	sdelay $0x1  }
0xa2: {  	s23 =	simm.s32 $0x1B8B  }
0xa3: {  	_ =	swait.ge [sflag:s23], $0x1  }
0xa4: {  	[sflag:s23] =	ssyncset.done $0x0  }
0xa5: {  	s25 =	simm.s32 $0x1B8E;
	s24 =	sld [smem:$0x3FFE];
	[sflag:s23] =	ssyncadd.s32 $0xFFFFFFFF  }
0xa6: {  	s26 =	simm.s32 $execute0_lowered;
	[smem:$0x3FD2] =	sst s25  }
0xa7: {  	s6 =	sshll.u32 s26, $0x1;
	_ =	strace $0x80000046;
	[dreg:$0x1] =	wrdreg $0xFFFFFFFF  }
0xa8: {  	s28 =	simm.s32 $_size_execute0_lowered;
	s4 =	sadd.s32 s4, s6;
	[dreg:$0x0] =	wrdreg $0x0  }
0xa9: {  	s6 =	sshll.u32 s28, $0x1;
	[dreg:$0x2] =	wrdreg s4  }
0xaa: {  	[dreg:$0x3] =	wrdreg s6  }
0xab: {  	[dreg:$0x4] =	wrdreg $0xC0  }
0xac: {  	_ =	task [dreg:s8], $0x5FFFF  }
0xad: {  	[dreg:$0x1] =	wrdreg $0xFFFFFFFF  }
0xae: {  	[dreg:$0x0] =	wrdreg $0x60  }
0xaf: {  	[dreg:$0x2] =	wrdreg s24  }
0xb0: {  	[dreg:$0x3] =	wrdreg s2  }
0xb1: {  	[dreg:$0x4] =	wrdreg s18  }
0xb2: {  	[dreg:$0x5] =	wrdreg $0xE6000  }
0xb3: {  	[dreg:$0x6] =	wrdreg $0x1A7800  }
0xb4: {  	[dreg:$0x7] =	wrdreg $0x1A6000  }
0xb5: {  	[dreg:$0x8] =	wrdreg $0x9  }
0xb6: {  	_ =	task.clear_ibuf [dreg:s8], $0x9FFFF;
	_ =	strace $0x90000046  }
0xb7: {  	s29 =	simm.s32 $0x9;
	_ =	strace $0x80000048  }
0xb8: {  	_ =	swait.ge [sflag:s29], $0x1  }
0xb9: {  	[sflag:s29] =	ssyncadd.s32 $0xFFFFFFFF  }
0xba: {  	_ =	strace $0x90000048  }
0xbb: {  	_ =	sfence  }
0xbc: {  	s30 =	sld [smem:$0x0];
	_ =	sdelay $0x2  }
0xbd: {  	s31 =	sshll.u32 s1, $0xD;
	s1 =	sshrl.u32 s1, $0x2  }
0xbe: {  	s3 =	sand.u32 $0x4000, s31;
	s1 =	sadd.s32 s1, s30  }
0xbf: {  	s0 =	sor.u32 s3, s0;
	s1 =	sshll.u32 s1, $0x11  }
0xc0: {  	s0 =	sor.u32 s1, s0  }
0xc1: {  	s0 =	sadd.s32 $0x8F2B, s0  }
0xc2: {  	[sflag:s0] =	ssyncadd.remote.s32 $0x1  }
0xc3: {  	_ =	sfence.sel $0xFFFF  }
0xc4: {  	[dreg:$0x0] =	wrdreg $0xFFFFFFFF;
	(pc) =	sbr.abs _section_cstart, $3  }
0xc5: {  	[dreg:$0x1] =	wrdreg $0xFFFFFFFF  }
0xc6: {  	_ =	task.clear_ibuf [dreg:s8], $0x2FFFF;
	_ =	strace $0x9FFFFFFF  }
0xc7: {  	(tm) =	ssettm $0x7FFFFFFF  }
tec
execute0_lowered:
.L_overlay_start_1:
0x0: {  	(tag) =	ssettag $0x1  }
0x1: {  	s0 =	rddreg [dreg:$0x0]  }
0x2: {  	s1 =	rddreg [dreg:$0x1]  }
0x3: {  	s6 =	rddreg [dreg:$0x2]  }
0x4: {  	s2 =	rddreg [dreg:$0x3]  }
0x5: {  	s3 =	rddreg [dreg:$0x4]  }
0x6: {  	s4 =	rddreg [dreg:$0x5];
	s5 =	simm.s32 $0x0;
	s7 =	srdreg.scid  }
0x7: {  	s19 =	stileid.u32;
	s31 =	simm.s32 $0xAB00;
	[smem:$0x7FF] =	sst s5  }
0x8: {  	s8 =	sadd.s32 $0x6000, s0;
	s10 =	sadd.s32 $0x1000, s0;
	s16 =	smul.u32 $0xA00, s19  }
0x9: {  	s11 =	sand.u32 $0x1, s7;
	s7 =	sadd.s32 $0x32200, s0;
	s18 =	smul.u32 $0x180, s19  }
0xa: {  	s12 =	sadd.s32 $0xB000, s0;
	s24 =	sshll.u32 s19, $0xF;
	s26 =	smul.u32 $0x30000, s19  }
0xb: {  	s30 =	smul.u32 $0x280, s19;
	_ =	strace $0x80000047;
	s9 =	sshll.u32 s11, $0x4  }
0xc: {  	[dreg:$0x7] =	wrdreg s12;
	s12 =	sadd.s32 $0x59800, s0;
	s0 =	sadd.s32 $0x59400, s0  }
0xd: {  	s28 =	ssub.s32 $0x2, s11;
	s23 =	sshll.u32 s11, $0x13;
	s11 =	sshll.u32 s11, $0x7  }
0xe: {  	s13 =	sor.u32 s19, s9;
	s15 =	sshrl.u32 s28, $0x1;
	s16 =	sshrl.u32 s16, $0x2  }
0xf: {  	s9 =	sshll.u32 s19, $0x8;
	s14 =	smul.u32 $0x27, s13;
	s17 =	smin.u32 s13, $0x2  }
0x10: {  	s15 =	ssub.s32 s28, s15;
	s22 =	sor.u32 $0x80, s9;
	s16 =	sadd.s32 s16, s3  }
0x11: {  	s28 =	sshrl.u32 s26, $0x2;
	p0 =	sgt.u32 s13, $0x1;
	s14 =	sadd.s32 s17, s14  }
0x12: {  	s26 =	sshll.u32 s13, $0x4;
	s25 =	sshll.u32 s22, $0x7;
	s14 =	sshll.u32 s14, $0x4  }
0x13: {  	[dreg:$0xc] =	wrdreg s16;
	s16 =	sadd.s32 $0x80, s18;
	s29 =	sadd.s32 s8, s14  }
0x14: {  	s17 =	sshll.u32 s13, $0xB;
	s20 =	sadd.s32 s10, s14;
	[dreg:$0x8] =	wrdreg s29  }
0x15: {  	s13 =	simm.s32 $0x80;
	s14 =	sadd.s32 $0x270, s14;
	[dreg:$0x9] =	wrdreg s20  }
0x16: {  	s8 =	sadd.s32 s8, s14;
	s21 =	sadd.s32 s10, s14;
	s14 =	sor.u32 s24, s23  }
0x17: {  	s10 =	sor.u32 s23, s25;
	s29 =	sshll.u32 s19, $0x9;
	s20 =	sshll.u32 s16, $0x7  }
0x18: {  	s24 =	sadd.s32 s16, s4;
	s16 =	simm.s32 $0xD200;
	[dreg:$0xa] =	wrdreg s8  }
0x19: {  	[dreg:$0xb] =	wrdreg s21;
	s14 =	sshrl.u32 s14, $0x3;
	s10 =	sshrl.u32 s10, $0x3  }
0x1a: {  	s8 =	sshll.u32 s22, $0x1;
	s21 =	sadd.s32 $0x100, s18;
	s22 =	sadd.s32 s18, s4  }
0x1b: {  	[dreg:$0x15] =	wrdreg s24;
	s18 =	simm.s32 $0x4;
	s24 =	simm.s32 $0xE500  }
0x1c: {  	s14 =	sadd.s32 s12, s14;
	s10 =	sadd.s32 s12, s10;
	s8 =	sor.u32 s11, s8  }
0x1d: {  	[dreg:$0x13] =	wrdreg s22;
	s23 =	sshll.u32 s21, $0x7;
	s25 =	sadd.s32 s21, s4  }
0x1e: {  	s12 =	simm.s32 $0x180;
	s21 =	simm.s32 $0x5;
	[dreg:$0xd] =	wrdreg s14  }
0x1f: {  	[dreg:$0xe] =	wrdreg s10;
	s14 =	sadd.s32 s28, s2;
	s10 =	sor.u32 s11, s29  }
0x20: {  	s8 =	sshrl.u32 s8, $0x3;
	[dreg:$0x17] =	wrdreg s25;
	s28 =	sshll.u32 s19, $0x5  }
0x21: {  	s29 =	smax.u32 s15, $0x1;
	s11 =	simm.s32 $0x100;
	s15 =	simm.s32 $0x2  }
0x22: {  	s19 =	simm.s32 $0x3;
	[dreg:$0xf] =	wrdreg s14;
	s10 =	sshrl.u32 s10, $0x3  }
0x23: {  	s25 =	simm.s32 $0xAA80;
	[dreg:$0x1a] =	wrdreg s29;
	s10 =	sadd.s32 s0, s10  }
0x24: {  	s14 =	simm.s32 $0x6980;
	s0 =	sadd.s32 s0, s8;
	[dreg:$0x10] =	wrdreg s10  }
0x25: {  	s8 =	simm.s32 $0x1;
	[dreg:$0x11] =	wrdreg s0;
	s0 =	sadd.s32 s6, s17  }
0x26: {  	s6 =	sadd.s32 s1, s28;
	s10 =	simm.s32 $0x6;
	[dreg:$0x12] =	wrdreg s0  }
0x27: {  	s17 =	simm.s32 $0xA980;
	s0 =	sadd.s32 s20, s2;
	[dreg:$0x18] =	wrdreg s6  }
0x28: {  	s6 =	simm.s32 $0xAA00;
	[dreg:$0x14] =	wrdreg s0;
	s0 =	sadd.s32 s23, s2  }
0x29: {  	s20 =	simm.s32 $0xD280;
	[dreg:$0x16] =	wrdreg s0;
	s0 =	sadd.s32 s1, s26  }
0x2a: {  	v0 =	vimm.f32 $0.0e+00;
	v1 =	vimm.f32 $1.000000000e+00;
	v2 =	vlaneseq.u32;
	s26 =	simm.s32 $0x0;
	[dreg:$0x19] =	wrdreg s0;
	s0 =	simm.s32 $0x2980  }
.LBB2_1:
0x2b: {  	s22 =	simm.s32 $0x0;
	s28 =	simm.s32 $0x200  }
.LBB2_2:
0x2c: {  	p1 =	sne.s32 s28, $0xFE00;
	[tilespmem:s22+$0x29F0] =	vst v0  }
0x2d: {  	[tilespmem:s22+$0x2980] =	vst v0  }
0x2e: {  	[tilespmem:s22+$0x2990] =	vst v0  }
.Ltmp0:
0x2f: {  	[tilespmem:s22+$0x29A0] =	vst v0;
	(pc) =	sbr.rel @p1 .LBB2_2-.Ltmp0, $4  }
0x30: {  	[tilespmem:s22+$0x29B0] =	vst v0  }
0x31: {  	[tilespmem:s22+$0x29C0] =	vst v0  }
0x32: {  	[tilespmem:s22+$0x29D0] =	vst v0  }
0x33: {  	[tilespmem:s22+$0x29E0] =	vst v0;
	s22 =	sshra.s32 s28, $0x2;
	s28 =	sadd.s32 $0x200, s28  }
0x34: {  	[tilespmem:s22+$0x29F0] =	vst v0  }
0x35: {  	[tilespmem:s22+$0x2980] =	vst v0  }
0x36: {  	[tilespmem:s22+$0x2990] =	vst v0  }
0x37: {  	[tilespmem:s22+$0x29A0] =	vst v0  }
0x38: {  	[tilespmem:s22+$0x29B0] =	vst v0  }
0x39: {  	[tilespmem:s22+$0x29C0] =	vst v0  }
0x3a: {  	[tilespmem:s22+$0x29D0] =	vst v0  }
0x3b: {  	[tilespmem:s22+$0x29E0] =	vst v0  }
0x3c: {  	[tilespmem:$0xA980] =	vst v1  }
0x3d: {  	[tilespmem:$0xAA00] =	vst v0  }
0x3e: {  	[tilespmem:$0xA990] =	vst v1  }
0x3f: {  	[tilespmem:$0xAA10] =	vst v0  }
0x40: {  	[tilespmem:$0xA9A0] =	vst v1  }
0x41: {  	[tilespmem:$0xAA20] =	vst v0  }
0x42: {  	[tilespmem:$0xA9B0] =	vst v1  }
0x43: {  	[tilespmem:$0xAA30] =	vst v0  }
0x44: {  	[tilespmem:$0xA9C0] =	vst v1  }
0x45: {  	[tilespmem:$0xAA40] =	vst v0  }
0x46: {  	[tilespmem:$0xA9D0] =	vst v1  }
0x47: {  	[tilespmem:$0xAA50] =	vst v0  }
0x48: {  	[tilespmem:$0xA9E0] =	vst v1  }
0x49: {  	v3 =	vor.u32 s30, v2;
	[tilespmem:$0xAA60] =	vst v0  }
0x4a: {  	[tilespmem:$0xA9F0] =	vst v1;
	v3 =	vand.u32 $0x7FF, v3  }
0x4b: {  	s22 =	simm.s32 $0x40;
	s29 =	simm.s32 $0x0;
	s28 =	smov.u32 s30;
	[tilespmem:$0xAA70] =	vst v0;
	v3 =	vor.u32 $0x1000, v3  }
.LBB2_4:
0x4c: {  	p1 =	sne.s32 s22, $0x9C0  }
0x4d: {  	[tilespmem:s29+$0xAB00] =	vst v3;
	s28 =	sadd.s32 $0x10, s28;
	s29 =	smov.u32 s22;
	s22 =	sadd.s32 $0x40, s22  }
.Ltmp1:
0x4e: {  	(pc) =	sbr.rel @p1 .LBB2_4-.Ltmp1, $4  }
0x4f: {  	_ = 	snop  }
0x50: {  	v3 =	vor.u32 s28, v2  }
0x51: {  	v3 =	vand.u32 $0x7FF, v3  }
0x52: {  	s29 =	sshra.s32 s29, $0x2;
	v3 =	vor.u32 $0x1000, v3  }
0x53: {  	[tilespmem:s29+$0xAB00] =	vst v3;
	s22 =	rddreg [dreg:$0xc]  }
0x54: {  	[spmem:s22] =	stream.linear.scatter [tilespmem:s31], [sflag:$0x1], $0x280, $0x38;
	[tilespmem:$0x1AA00] =	vst v63  }
0x55: {  	s23 =	rddreg [dreg:$0xf]  }
0x56: {  	[spmem:s23] =	stream.linear.scatter [tilespmem:s0], [sflag:$0x1], $0x4000, $0x38;
	[tilespmem:$0x1AA00] =	vst v63  }
0x57: {  	s28 =	rddreg [dreg:$0x13]  }
0x58: {  	[spmem:s28] =	stream.linear.scatter [tilespmem:s6], [sflag:$0x1], $0x80, $0x38;
	[tilespmem:$0x1AA00] =	vst v63  }
0x59: {  	s29 =	rddreg [dreg:$0x14]  }
0x5a: {  	[spmem:s29] =	stream.linear.scatter [tilespmem:s0], [sflag:$0x1], $0x4000, $0x38;
	[tilespmem:$0x1AA00] =	vst v63  }
0x5b: {  	s23 =	rddreg [dreg:$0x15]  }
0x5c: {  	[spmem:s23] =	stream.linear.scatter [tilespmem:s6], [sflag:$0x1], $0x80, $0x38;
	[tilespmem:$0x1AA00] =	vst v63  }
0x5d: {  	s28 =	rddreg [dreg:$0x16]  }
0x5e: {  	[spmem:s28] =	stream.linear.scatter [tilespmem:s0], [sflag:$0x1], $0x4000, $0x38;
	[tilespmem:$0x1AA00] =	vst v63  }
0x5f: {  	s29 =	rddreg [dreg:$0x17]  }
0x60: {  	[spmem:s29] =	stream.linear.scatter [tilespmem:s6], [sflag:$0x1], $0x80, $0x38;
	[tilespmem:$0x1AA00] =	vst v63  }
0x61: {  	_ =	swait.ge [sflag:s8], $0x280  }
0x62: {  	[sflag:s8] =	ssyncset.done $0x0  }
0x63: {  	[sflag:s8] =	ssyncadd.s32 $0xFFFFFD80  }
0x64: {  	_ =	swait.ge [sflag:s8], $0x4000  }
0x65: {  	[sflag:s8] =	ssyncset.done $0x0  }
0x66: {  	[sflag:s8] =	ssyncadd.s32 $0xFFFFC000  }
0x67: {  	_ =	swait.ge [sflag:s8], $0x80  }
0x68: {  	[sflag:s8] =	ssyncset.done $0x0  }
0x69: {  	[sflag:s8] =	ssyncadd.s32 $0xFFFFFF80  }
0x6a: {  	_ =	swait.ge [sflag:s8], $0x4000  }
0x6b: {  	[sflag:s8] =	ssyncset.done $0x0  }
0x6c: {  	[sflag:s8] =	ssyncadd.s32 $0xFFFFC000  }
0x6d: {  	_ =	swait.ge [sflag:s8], $0x80  }
0x6e: {  	[sflag:s8] =	ssyncset.done $0x0  }
0x6f: {  	[sflag:s8] =	ssyncadd.s32 $0xFFFFFF80  }
0x70: {  	_ =	swait.ge [sflag:s8], $0x4000  }
0x71: {  	[sflag:s8] =	ssyncset.done $0x0  }
0x72: {  	[sflag:s8] =	ssyncadd.s32 $0xFFFFC000  }
0x73: {  	_ =	swait.ge [sflag:s8], $0x80  }
0x74: {  	[sflag:s8] =	ssyncset.done $0x0  }
0x75: {  	[sflag:s8] =	ssyncadd.s32 $0xFFFFFF80  }
0x76: {  	p1 =	por $0x1, $0x1;
	s22 =	simm.s32 $0x0;
	[bflag:$0x0] =	sbarrier.arrive $0xFFFF  }
.LBB2_6:
0x77: {  	s22 =	sor.u32 s9, s22  }
0x78: {  	s28 =	sshrl.u32 s22, $0x3  }
0x79: {  	s28 =	sadd.s32 s1, s28  }
0x7a: {  	[tilespmem:s5], [sflag:$0x6] =	stream.linear.gather [hbm4b:s28+s5], $0x80, $0x38;
	[tilespmem:$0x1AA00] =	vst v63  }
0x7b: {  	_ =	swait.ge [sflag:s10], $0x80  }
0x7c: {  	[sflag:s10] =	ssyncset.done $0x0  }
0x7d: {  	v3 =	vor.u32 s22, v2;
	s23 =	sor.u32 $0x10, s22;
	[sflag:s10] =	ssyncadd.s32 $0xFFFFFF80  }
0x7e: {  	s29 =	sor.u32 $0x20, s22;
	[tilespmem:$0x100] =	vst v3;
	v3 =	vor.u32 s23, v2  }
0x7f: {  	s23 =	sor.u32 $0x30, s22;
	[tilespmem:$0x110] =	vst v3;
	v3 =	vor.u32 s29, v2  }
0x80: {  	s29 =	sor.u32 $0x40, s22;
	[tilespmem:$0x120] =	vst v3;
	v3 =	vor.u32 s23, v2  }
0x81: {  	s23 =	sor.u32 $0x50, s22;
	[tilespmem:$0x130] =	vst v3;
	v3 =	vor.u32 s29, v2  }
0x82: {  	s29 =	sor.u32 $0x60, s22;
	[tilespmem:$0x140] =	vst v3;
	v3 =	vor.u32 s23, v2  }
0x83: {  	s22 =	sor.u32 $0x70, s22;
	[tilespmem:$0x150] =	vst v3;
	v3 =	vor.u32 s29, v2  }
0x84: {  	p2 =	por p1, p1;
	[tilespmem:$0x160] =	vst v3;
	v3 =	vor.u32 s22, v2  }
.Ltmp2:
0x85: {  	s22 =	simm.s32 $0x80;
	[tilespmem:$0x170] =	vst v3;
	(pc) =	sbr.rel @p2 .LBB2_6-.Ltmp2, $4  }
0x86: {  	[spmem:s3] =	stream.indirect.scatter [tilespmem:s11], [sflag:$0x6], $0x1, s5, s22, $0xb8;
	[tilespmem:$0x1AA00] =	vst v63  }
0x87: {  	_ =	swait.ge [sflag:s10], $0x80  }
0x88: {  	[sflag:s10] =	ssyncset.done $0x0  }
0x89: {  	p1 =	por $0x0, $0x0;
	[sflag:s10] =	ssyncadd.s32 $0xFFFFFF80  }
0x8a: {  	[bflag:$0x0] =	sbarrier.arrive $0xFFFF  }
0x8b: {  	[tilespmem:s12], [sflag:$0x6] =	stream.linear.gather [spmem:s3], $0x2800, $0x38;
	[tilespmem:$0x1AA00] =	vst v63  }
0x8c: {  	_ =	swait.ge [sflag:s10], $0x2800  }
0x8d: {  	[sflag:s10] =	ssyncset.done $0x0  }
0x8e: {  	s22 =	simm.s32 $0x0;
	s23 =	rddreg [dreg:$0x8];
	[sflag:s10] =	ssyncadd.s32 $0xFFFFD800  }
0x8f: {  	[tilespmem:s31], [sflag:$0x6] =	stream.linear.gather [hbm4b:s23+s22], $0x1380, $0x38;
	[tilespmem:$0x1AA00] =	vst v63  }
0x90: {  	_ =	swait.ge [sflag:s10], $0x1380  }
0x91: {  	[sflag:s10] =	ssyncset.done $0x0  }
0x92: {  	s28 =	simm.s32 $0xBE80;
	s23 =	rddreg [dreg:$0x9];
	[sflag:s10] =	ssyncadd.s32 $0xFFFFEC80  }
0x93: {  	[tilespmem:s28], [sflag:$0x6] =	stream.linear.gather [hbm4b:s23+s22], $0x1380, $0x38;
	[tilespmem:$0x1AA00] =	vst v63  }
0x94: {  	_ =	swait.ge [sflag:s10], $0x1380  }
0x95: {  	[sflag:s10] =	ssyncset.done $0x0  }
0x96: {  	s28 =	simm.s32 $0x0;
	[sflag:s10] =	ssyncadd.s32 $0xFFFFEC80  }
0x97: {  	[tilespmem:s0], [sflag:$0x2] =	stream.indirect.gather [hbm4b:s7+s13], $0x80, s31, s13, $0xb8;
	[tilespmem:$0x1AA00] =	vst v63  }
0x98: {  	v3 =	vld [tilespmem:s28+$0xBE80];
	_ =	sdelay $0x5  }
0x99: {  	v4 =	vld [tilespmem:s28+$0xBE90];
	_ =	sdelay $0x1  }
0x9a: {  	v3 =	vld.idx.msk [tilespmem:v3+s12+$0x0], $0xffff;
	_ =	sdelay $0x4  }
0x9b: {  	[tilespmem:s28+$0xD200] =	vst v3;
	v3 =	vld [tilespmem:s28+$0xBEA0]  }
0x9c: {  	v4 =	vld.idx.msk [tilespmem:v4+s12+$0x0], $0xffff;
	_ =	sdelay $0x4  }
0x9d: {  	[tilespmem:s28+$0xD210] =	vst v4;
	v4 =	vld [tilespmem:s28+$0xBEB0];
	_ =	sdelay $0x1  }
0x9e: {  	v3 =	vld.idx.msk [tilespmem:v3+s12+$0x0], $0xffff;
	_ =	sdelay $0x4  }
0x9f: {  	[tilespmem:s28+$0xD220] =	vst v3;
	v3 =	vld [tilespmem:s28+$0xBEC0]  }
0xa0: {  	v4 =	vld.idx.msk [tilespmem:v4+s12+$0x0], $0xffff;
	_ =	sdelay $0x4  }
0xa1: {  	[tilespmem:s28+$0xD230] =	vst v4;
	v4 =	vld [tilespmem:s28+$0xBED0];
	_ =	sdelay $0x1  }
0xa2: {  	v3 =	vld.idx.msk [tilespmem:v3+s12+$0x0], $0xffff;
	_ =	sdelay $0x4  }
0xa3: {  	v5 =	vld [tilespmem:s28+$0xBEE0];
	[tilespmem:s28+$0xD240] =	vst v3  }
0xa4: {  	v3 =	vld.idx.msk [tilespmem:v4+s12+$0x0], $0xffff;
	_ =	sdelay $0x4  }
0xa5: {  	[tilespmem:s28+$0xD250] =	vst v3;
	v3 =	vld [tilespmem:s28+$0xBEF0];
	_ =	sdelay $0x1  }
0xa6: {  	v4 =	vld.idx.msk [tilespmem:v5+s12+$0x0], $0xffff;
	_ =	sdelay $0x3  }
0xa7: {  	s29 =	simm.s32 $0x400;
	s22 =	simm.s32 $0x80  }
.LBB2_8:
0xa8: {  	p1 =	sne.s32 s29, $0x4C00;
	v5 =	vld [tilespmem:s22+$0xBE80];
	[tilespmem:s28+$0xD260] =	vst v4  }
0xa9: {  	v3 =	vld.idx.msk [tilespmem:v3+s12+$0x0], $0xffff;
	_ =	sdelay $0x5  }
0xaa: {  	v4 =	vld [tilespmem:s22+$0xBE90];
	[tilespmem:s28+$0xD270] =	vst v3;
	s28 =	smov.u32 s22  }
0xab: {  	v3 =	vld.idx.msk [tilespmem:v5+s12+$0x0], $0xffff;
	_ =	sdelay $0x5  }
0xac: {  	[tilespmem:s28+$0xD200] =	vst v3;
	v3 =	vld [tilespmem:s28+$0xBEA0]  }
0xad: {  	v4 =	vld.idx.msk [tilespmem:v4+s12+$0x0], $0xffff;
	_ =	sdelay $0x5  }
0xae: {  	[tilespmem:s28+$0xD210] =	vst v4;
	v4 =	vld [tilespmem:s28+$0xBEB0]  }
0xaf: {  	v3 =	vld.idx.msk [tilespmem:v3+s12+$0x0], $0xffff;
	_ =	sdelay $0x5  }
0xb0: {  	[tilespmem:s28+$0xD220] =	vst v3;
	v3 =	vld [tilespmem:s28+$0xBEC0]  }
0xb1: {  	v4 =	vld.idx.msk [tilespmem:v4+s12+$0x0], $0xffff;
	_ =	sdelay $0x5  }
0xb2: {  	[tilespmem:s28+$0xD230] =	vst v4;
	v4 =	vld [tilespmem:s28+$0xBED0]  }
0xb3: {  	v3 =	vld.idx.msk [tilespmem:v3+s12+$0x0], $0xffff;
	_ =	sdelay $0x5  }
0xb4: {  	[tilespmem:s28+$0xD240] =	vst v3;
	v5 =	vld [tilespmem:s28+$0xBEE0]  }
0xb5: {  	v3 =	vld.idx.msk [tilespmem:v4+s12+$0x0], $0xffff;
	_ =	sdelay $0x5  }
0xb6: {  	[tilespmem:s28+$0xD250] =	vst v3;
	v3 =	vld [tilespmem:s28+$0xBEF0]  }
0xb7: {  	v4 =	vld.idx.msk [tilespmem:v5+s12+$0x0], $0xffff  }
.Ltmp3:
0xb8: {  	(pc) =	sbr.rel @p1 .LBB2_8-.Ltmp3, $2  }
0xb9: {  	_ =	sdelay $0x2  }
0xba: {  	s22 =	sshra.s32 s29, $0x2;
	s29 =	sadd.s32 $0x200, s29  }
0xbb: {  	_ =	sdelay $0x1  }
0xbc: {  	v5 =	vld [tilespmem:s22+$0xBE80]  }
0xbd: {  	[tilespmem:s28+$0xD260] =	vst v4  }
0xbe: {  	v3 =	vld.idx.msk [tilespmem:v3+s12+$0x0], $0xffff;
	_ =	sdelay $0x4  }
0xbf: {  	v4 =	vld [tilespmem:s22+$0xBE90];
	[tilespmem:s28+$0xD270] =	vst v3  }
0xc0: {  	v3 =	vld.idx.msk [tilespmem:v5+s12+$0x0], $0xffff;
	_ =	sdelay $0x4  }
0xc1: {  	[tilespmem:s22+$0xD200] =	vst v3;
	v3 =	vld [tilespmem:s22+$0xBEA0];
	_ =	sdelay $0x1  }
0xc2: {  	v4 =	vld.idx.msk [tilespmem:v4+s12+$0x0], $0xffff;
	_ =	sdelay $0x4  }
0xc3: {  	v61 =	vld [tilespmem:s22+$0xBEB0];
	[tilespmem:s22+$0xD210] =	vst v4  }
0xc4: {  	v3 =	vld.idx.msk [tilespmem:v3+s12+$0x0], $0xffff;
	_ =	sdelay $0x4  }
0xc5: {  	[tilespmem:s22+$0xD220] =	vst v3;
	v3 =	vld [tilespmem:s22+$0xBEC0];
	_ =	sdelay $0x1  }
0xc6: {  	v4 =	vld.idx.msk [tilespmem:v61+s12+$0x0], $0xffff;
	_ =	sdelay $0x4  }
0xc7: {  	v62 =	vld [tilespmem:s22+$0xBED0];
	[tilespmem:s22+$0xD230] =	vst v4  }
0xc8: {  	v3 =	vld.idx.msk [tilespmem:v3+s12+$0x0], $0xffff;
	_ =	sdelay $0x4  }
0xc9: {  	[tilespmem:s22+$0xD240] =	vst v3;
	v3 =	vld [tilespmem:s22+$0xBEE0];
	_ =	sdelay $0x1  }
0xca: {  	v4 =	vld.idx.msk [tilespmem:v62+s12+$0x0], $0xffff;
	_ =	sdelay $0x3  }
0xcb: {  	v63 =	vld [tilespmem:s22+$0xBEF0]  }
0xcc: {  	[tilespmem:s22+$0xD250] =	vst v4  }
0xcd: {  	v3 =	vld.idx.msk [tilespmem:v3+s12+$0x0], $0xffff;
	_ =	sdelay $0x4  }
0xce: {  	[tilespmem:s22+$0xD260] =	vst v3  }
0xcf: {  	v3 =	vld.idx.msk [tilespmem:v63+s12+$0x0], $0xffff;
	_ =	sdelay $0x4  }
0xd0: {  	s29 =	simm.s32 $0xAB80;
	[tilespmem:s22+$0xD270] =	vst v3  }
0xd1: {  	[tilespmem:s14], [sflag:$0x3] =	stream.indirect.gather [hbm4b:s7+s13], $0x80, s29, s13, $0xb8;
	[tilespmem:$0x1AA00] =	vst v63  }
0xd2: {  	_ =	swait.ge [sflag:s15], $0x4000  }
0xd3: {  	[sflag:s15] =	ssyncset.done $0x0  }
0xd4: {  	[sflag:s15] =	ssyncadd.s32 $0xFFFFC000  }
0xd5: {  	[spmem:s2] =	stream.indirect.scatter.add.f32 [tilespmem:s0], [sflag:$0x4], $0x80, s16, s13, $0xb8;
	[tilespmem:$0x1AA00] =	vst v63  }
0xd6: {  	_ = 	snop  }
0xd7: {  	[spmem:s4] =	stream.indirect.scatter.add.f32 [tilespmem:s17], [sflag:$0x4], $0x1, s16, s13, $0xb8;
	[tilespmem:$0x1AA00] =	vst v63  }
0xd8: {  	_ =	swait.ge [sflag:s18], $0x4000  }
0xd9: {  	[sflag:s18] =	ssyncset.done $0x0  }
0xda: {  	[sflag:s18] =	ssyncadd.s32 $0xFFFFC000  }
0xdb: {  	_ =	swait.ge [sflag:s18], $0x80  }
0xdc: {  	[sflag:s18] =	ssyncset.done $0x0  }
0xdd: {  	s23 =	simm.s32 $0xAC00;
	[sflag:s18] =	ssyncadd.s32 $0xFFFFFF80  }
0xde: {  	[tilespmem:s0], [sflag:$0x2] =	stream.indirect.gather [hbm4b:s7+s13], $0x80, s23, s13, $0xb8;
	[tilespmem:$0x1AA00] =	vst v63  }
0xdf: {  	_ =	swait.ge [sflag:s19], $0x4000  }
0xe0: {  	[sflag:s19] =	ssyncset.done $0x0  }
0xe1: {  	[sflag:s19] =	ssyncadd.s32 $0xFFFFC000  }
0xe2: {  	[spmem:s2] =	stream.indirect.scatter.add.f32 [tilespmem:s14], [sflag:$0x5], $0x80, s20, s13, $0xb8;
	[tilespmem:$0x1AA00] =	vst v63  }
0xe3: {  	_ = 	snop  }
0xe4: {  	[spmem:s4] =	stream.indirect.scatter.add.f32 [tilespmem:s17], [sflag:$0x5], $0x1, s20, s13, $0xb8;
	[tilespmem:$0x1AA00] =	vst v63  }
0xe5: {  	_ =	swait.ge [sflag:s21], $0x4000  }
0xe6: {  	[sflag:s21] =	ssyncset.done $0x0  }
0xe7: {  	[sflag:s21] =	ssyncadd.s32 $0xFFFFC000  }
0xe8: {  	_ =	swait.ge [sflag:s21], $0x80  }
0xe9: {  	[sflag:s21] =	ssyncset.done $0x0  }
0xea: {  	s29 =	simm.s32 $0xAC80;
	[sflag:s21] =	ssyncadd.s32 $0xFFFFFF80  }
0xeb: {  	[tilespmem:s14], [sflag:$0x3] =	stream.indirect.gather [hbm4b:s7+s13], $0x80, s29, s13, $0xb8;
	[tilespmem:$0x1AA00] =	vst v63  }
0xec: {  	_ =	swait.ge [sflag:s15], $0x4000  }
0xed: {  	[sflag:s15] =	ssyncset.done $0x0  }
0xee: {  	s23 =	simm.s32 $0xD300;
	[sflag:s15] =	ssyncadd.s32 $0xFFFFC000  }
0xef: {  	[spmem:s2] =	stream.indirect.scatter.add.f32 [tilespmem:s0], [sflag:$0x4], $0x80, s23, s13, $0xb8;
	[tilespmem:$0x1AA00] =	vst v63  }
0xf0: {  	_ = 	snop  }
0xf1: {  	[spmem:s4] =	stream.indirect.scatter.add.f32 [tilespmem:s17], [sflag:$0x4], $0x1, s23, s13, $0xb8;
	[tilespmem:$0x1AA00] =	vst v63  }
0xf2: {  	_ =	swait.ge [sflag:s18], $0x4000  }
0xf3: {  	[sflag:s18] =	ssyncset.done $0x0  }
0xf4: {  	[sflag:s18] =	ssyncadd.s32 $0xFFFFC000  }
0xf5: {  	_ =	swait.ge [sflag:s18], $0x80  }
0xf6: {  	[sflag:s18] =	ssyncset.done $0x0  }
0xf7: {  	s29 =	simm.s32 $0xAD00;
	[sflag:s18] =	ssyncadd.s32 $0xFFFFFF80  }
0xf8: {  	[tilespmem:s0], [sflag:$0x2] =	stream.indirect.gather [hbm4b:s7+s13], $0x80, s29, s13, $0xb8;
	[tilespmem:$0x1AA00] =	vst v63  }
0xf9: {  	_ =	swait.ge [sflag:s19], $0x4000  }
0xfa: {  	[sflag:s19] =	ssyncset.done $0x0  }
0xfb: {  	s28 =	simm.s32 $0xFFFFC000;
	s22 =	simm.s32 $0xD380;
	[sflag:s19] =	ssyncadd.s32 $0xFFFFC000  }
0xfc: {  	[spmem:s2] =	stream.indirect.scatter.add.f32 [tilespmem:s14], [sflag:$0x5], $0x80, s22, s13, $0xb8;
	[tilespmem:$0x1AA00] =	vst v63  }
.LBB2_10:
0xfd: {  	[spmem:s4] =	stream.indirect.scatter.add.f32 [tilespmem:s17], [sflag:$0x5], $0x1, s22, s13, $0xb8;
	[tilespmem:$0x1AA00] =	vst v63  }
0xfe: {  	s22 =	smov.u32 s28  }
0xff: {  	p1 =	sne.s32 s28, $0xFFFFFC00;
	s28 =	sadd.s32 $0x400, s28;
	_ =	swait.ge [sflag:s21], $0x4000  }
0x100: {  	[sflag:s21] =	ssyncset.done $0x0  }
0x101: {  	[sflag:s21] =	ssyncadd.s32 $0xFFFFC000  }
0x102: {  	_ =	swait.ge [sflag:s21], $0x80  }
0x103: {  	s22 =	sshra.s32 s22, $0x2;
	[sflag:s21] =	ssyncset.done $0x0  }
0x104: {  	s29 =	sadd.s32 $0xBD80, s22;
	[sflag:s21] =	ssyncadd.s32 $0xFFFFFF80  }
0x105: {  	[tilespmem:s14], [sflag:$0x3] =	stream.indirect.gather [hbm4b:s7+s13], $0x80, s29, s13, $0xb8;
	[tilespmem:$0x1AA00] =	vst v63  }
0x106: {  	_ =	swait.ge [sflag:s15], $0x4000  }
0x107: {  	[sflag:s15] =	ssyncset.done $0x0  }
0x108: {  	s29 =	sadd.s32 $0xE400, s22;
	[sflag:s15] =	ssyncadd.s32 $0xFFFFC000  }
0x109: {  	[spmem:s2] =	stream.indirect.scatter.add.f32 [tilespmem:s0], [sflag:$0x4], $0x80, s29, s13, $0xb8;
	[tilespmem:$0x1AA00] =	vst v63  }
0x10a: {  	_ = 	snop  }
0x10b: {  	[spmem:s4] =	stream.indirect.scatter.add.f32 [tilespmem:s17], [sflag:$0x4], $0x1, s29, s13, $0xb8;
	[tilespmem:$0x1AA00] =	vst v63  }
0x10c: {  	_ =	swait.ge [sflag:s18], $0x4000  }
0x10d: {  	[sflag:s18] =	ssyncset.done $0x0  }
0x10e: {  	[sflag:s18] =	ssyncadd.s32 $0xFFFFC000  }
0x10f: {  	_ =	swait.ge [sflag:s18], $0x80  }
0x110: {  	[sflag:s18] =	ssyncset.done $0x0  }
0x111: {  	s29 =	sadd.s32 $0xBE00, s22;
	[sflag:s18] =	ssyncadd.s32 $0xFFFFFF80  }
0x112: {  	[tilespmem:s0], [sflag:$0x2] =	stream.indirect.gather [hbm4b:s7+s13], $0x80, s29, s13, $0xb8;
	[tilespmem:$0x1AA00] =	vst v63  }
.Ltmp4:
0x113: {  	_ = 	snop;
	(pc) =	sbr.rel @p1 .LBB2_10-.Ltmp4, $4  }
0x114: {  	_ =	swait.ge [sflag:s19], $0x4000  }
0x115: {  	[sflag:s19] =	ssyncset.done $0x0  }
0x116: {  	s22 =	sadd.s32 $0xE480, s22;
	[sflag:s19] =	ssyncadd.s32 $0xFFFFC000  }
0x117: {  	[spmem:s2] =	stream.indirect.scatter.add.f32 [tilespmem:s14], [sflag:$0x5], $0x80, s22, s13, $0xb8;
	[tilespmem:$0x1AA00] =	vst v63  }
0x118: {  	[spmem:s4] =	stream.indirect.scatter.add.f32 [tilespmem:s17], [sflag:$0x5], $0x1, s22, s13, $0xb8;
	[tilespmem:$0x1AA00] =	vst v63  }
0x119: {  	_ =	swait.ge [sflag:s21], $0x4000  }
0x11a: {  	[sflag:s21] =	ssyncset.done $0x0  }
0x11b: {  	[sflag:s21] =	ssyncadd.s32 $0xFFFFC000  }
0x11c: {  	_ =	swait.ge [sflag:s21], $0x80  }
0x11d: {  	[sflag:s21] =	ssyncset.done $0x0  }
0x11e: {  	s29 =	simm.s32 $0xBD80;
	[sflag:s21] =	ssyncadd.s32 $0xFFFFFF80  }
0x11f: {  	[tilespmem:s14], [sflag:$0x3] =	stream.indirect.gather [hbm4b:s7+s13], $0x80, s29, s13, $0xb8;
	[tilespmem:$0x1AA00] =	vst v63  }
0x120: {  	_ =	swait.ge [sflag:s15], $0x4000  }
0x121: {  	[sflag:s15] =	ssyncset.done $0x0  }
0x122: {  	s23 =	simm.s32 $0xE400;
	[sflag:s15] =	ssyncadd.s32 $0xFFFFC000  }
0x123: {  	[spmem:s2] =	stream.indirect.scatter.add.f32 [tilespmem:s0], [sflag:$0x4], $0x80, s23, s13, $0xb8;
	[tilespmem:$0x1AA00] =	vst v63  }
0x124: {  	_ = 	snop  }
0x125: {  	[spmem:s4] =	stream.indirect.scatter.add.f32 [tilespmem:s17], [sflag:$0x4], $0x1, s23, s13, $0xb8;
	[tilespmem:$0x1AA00] =	vst v63  }
0x126: {  	_ =	swait.ge [sflag:s19], $0x4000  }
0x127: {  	[sflag:s19] =	ssyncset.done $0x0  }
0x128: {  	s28 =	simm.s32 $0xE480;
	[sflag:s19] =	ssyncadd.s32 $0xFFFFC000  }
0x129: {  	[spmem:s2] =	stream.indirect.scatter.add.f32 [tilespmem:s14], [sflag:$0x5], $0x80, s28, s13, $0xb8;
	[tilespmem:$0x1AA00] =	vst v63  }
0x12a: {  	_ = 	snop  }
0x12b: {  	[spmem:s4] =	stream.indirect.scatter.add.f32 [tilespmem:s17], [sflag:$0x5], $0x1, s28, s13, $0xb8;
	[tilespmem:$0x1AA00] =	vst v63  }
0x12c: {  	_ =	swait.ge [sflag:s18], $0x4000  }
0x12d: {  	[sflag:s18] =	ssyncset.done $0x0  }
0x12e: {  	[sflag:s18] =	ssyncadd.s32 $0xFFFFC000  }
0x12f: {  	_ =	swait.ge [sflag:s18], $0x80  }
0x130: {  	[sflag:s18] =	ssyncset.done $0x0  }
0x131: {  	[sflag:s18] =	ssyncadd.s32 $0xFFFFFF80  }
0x132: {  	_ =	swait.ge [sflag:s21], $0x4000  }
0x133: {  	[sflag:s21] =	ssyncset.done $0x0  }
0x134: {  	[sflag:s21] =	ssyncadd.s32 $0xFFFFC000  }
0x135: {  	_ =	swait.ge [sflag:s21], $0x80  }
0x136: {  	[sflag:s21] =	ssyncset.done $0x0  }
0x137: {  	s29 =	simm.s32 $0xBE00;
	[sflag:s21] =	ssyncadd.s32 $0xFFFFFF80  }
0x138: {  	[tilespmem:s0], [sflag:$0x2] =	stream.indirect.gather [hbm4b:s7+s13], $0x80, s29, s13, $0xb8;
	[tilespmem:$0x1AA00] =	vst v63  }
0x139: {  	_ =	swait.ge [sflag:s15], $0x4000  }
0x13a: {  	[sflag:s15] =	ssyncset.done $0x0  }
0x13b: {  	[sflag:s15] =	ssyncadd.s32 $0xFFFFC000  }
0x13c: {  	[spmem:s2] =	stream.indirect.scatter.add.f32 [tilespmem:s0], [sflag:$0x4], $0x80, s24, s13, $0xb8;
	[tilespmem:$0x1AA00] =	vst v63  }
0x13d: {  	_ = 	snop  }
0x13e: {  	[spmem:s4] =	stream.indirect.scatter.add.f32 [tilespmem:s17], [sflag:$0x4], $0x1, s24, s13, $0xb8;
	[tilespmem:$0x1AA00] =	vst v63  }
0x13f: {  	_ =	swait.ge [sflag:s18], $0x4000  }
0x140: {  	[sflag:s18] =	ssyncset.done $0x0  }
0x141: {  	[sflag:s18] =	ssyncadd.s32 $0xFFFFC000  }
0x142: {  	_ =	swait.ge [sflag:s18], $0x80  }
0x143: {  	s22 =	simm.s32 @!p0 $0x0;
	[sflag:s18] =	ssyncset.done $0x0  }
0x144: {  	s28 =	simm.s32 @!p0 $0x6;
	s23 =	rddreg [dreg:$0xa];
	[sflag:s18] =	ssyncadd.s32 $0xFFFFFF80  }
0x145: {  	[tilespmem:s22], [sflag:$0x6] =	stream.linear.gather @!p0 [hbm4b:s23+s22], $0x80, $0x38;
	[tilespmem:$0x1AA00] =	vst v63  }
0x146: {  	_ =	swait.ge @!p0 [sflag:s28], $0x80  }
0x147: {  	[sflag:s28] =	ssyncset.done @!p0 $0x0  }
0x148: {  	s29 =	simm.s32 @!p0 $0x80;
	s23 =	rddreg [dreg:$0xb];
	[sflag:s28] =	ssyncadd.s32 @!p0 $0xFFFFFF80  }
0x149: {  	[tilespmem:s29], [sflag:$0x6] =	stream.linear.gather @!p0 [hbm4b:s23+s22], $0x80, $0x38;
	[tilespmem:$0x1AA00] =	vst v63  }
0x14a: {  	_ =	swait.ge @!p0 [sflag:s28], $0x80  }
0x14b: {  	[sflag:s28] =	ssyncset.done @!p0 $0x0  }
0x14c: {  	[sflag:s28] =	ssyncadd.s32 @!p0 $0xFFFFFF80  }
0x14d: {  	v3 =	vld @!p0 [tilespmem:$0x80];
	_ =	sdelay $0x5  }
0x14e: {  	v4 =	vld @!p0 [tilespmem:$0x90]  }
0x14f: {  	s23 =	simm.s32 @!p0 $0x180  }
0x150: {  	v3 =	vld.idx.msk @!p0 [tilespmem:v3+s23+$0x0], $0xffff;
	_ =	sdelay $0x3  }
0x151: {  	v5 =	vld @!p0 [tilespmem:$0xA0]  }
0x152: {  	[tilespmem:$0x80] =	vst @!p0 v3  }
0x153: {  	v3 =	vld.idx.msk @!p0 [tilespmem:v4+s23+$0x0], $0xffff;
	_ =	sdelay $0x3  }
0x154: {  	v4 =	vld @!p0 [tilespmem:$0xB0]  }
0x155: {  	[tilespmem:$0x90] =	vst @!p0 v3  }
0x156: {  	v3 =	vld.idx.msk @!p0 [tilespmem:v5+s23+$0x0], $0xffff;
	_ =	sdelay $0x3  }
0x157: {  	v5 =	vld @!p0 [tilespmem:$0xC0]  }
0x158: {  	[tilespmem:$0xA0] =	vst @!p0 v3  }
0x159: {  	v3 =	vld.idx.msk @!p0 [tilespmem:v4+s23+$0x0], $0xffff;
	_ =	sdelay $0x3  }
0x15a: {  	v4 =	vld @!p0 [tilespmem:$0xD0]  }
0x15b: {  	[tilespmem:$0xB0] =	vst @!p0 v3  }
0x15c: {  	v3 =	vld.idx.msk @!p0 [tilespmem:v5+s23+$0x0], $0xffff;
	_ =	sdelay $0x3  }
0x15d: {  	v5 =	vld @!p0 [tilespmem:$0xE0]  }
0x15e: {  	[tilespmem:$0xC0] =	vst @!p0 v3  }
0x15f: {  	v3 =	vld.idx.msk @!p0 [tilespmem:v4+s23+$0x0], $0xffff;
	_ =	sdelay $0x3  }
0x160: {  	v4 =	vld @!p0 [tilespmem:$0xF0]  }
0x161: {  	[tilespmem:$0xD0] =	vst @!p0 v3  }
0x162: {  	v3 =	vld.idx.msk @!p0 [tilespmem:v5+s23+$0x0], $0xffff;
	_ =	sdelay $0x4  }
0x163: {  	[tilespmem:$0xE0] =	vst @!p0 v3  }
0x164: {  	v3 =	vld.idx.msk @!p0 [tilespmem:v4+s23+$0x0], $0xffff;
	_ =	sdelay $0x4  }
0x165: {  	s23 =	simm.s32 @!p0 $0x2980;
	[tilespmem:$0xF0] =	vst @!p0 v3  }
0x166: {  	[tilespmem:s23], [sflag:$0x2] =	stream.indirect.gather @!p0 [hbm4b:s7+s29], $0x80, s22, s29, $0xb8;
	[tilespmem:$0x1AA00] =	vst v63  }
0x167: {  	s22 =	simm.s32 @!p0 $0x2  }
0x168: {  	_ =	swait.ge @!p0 [sflag:s22], $0x4000  }
0x169: {  	[sflag:s22] =	ssyncset.done @!p0 $0x0  }
0x16a: {  	[sflag:s22] =	ssyncadd.s32 @!p0 $0xFFFFC000  }
0x16b: {  	[spmem:s2] =	stream.indirect.scatter.add.f32 @!p0 [tilespmem:s23], [sflag:$0x6], $0x80, s29, s29, $0xb8;
	[tilespmem:$0x1AA00] =	vst v63  }
0x16c: {  	_ =	swait.ge @!p0 [sflag:s28], $0x4000  }
0x16d: {  	[sflag:s28] =	ssyncset.done @!p0 $0x0  }
0x16e: {  	s22 =	simm.s32 @!p0 $0xA980;
	[sflag:s28] =	ssyncadd.s32 @!p0 $0xFFFFC000  }
0x16f: {  	[spmem:s4] =	stream.indirect.scatter.add.f32 @!p0 [tilespmem:s22], [sflag:$0x6], $0x1, s29, s29, $0xb8;
	[tilespmem:$0x1AA00] =	vst v63  }
0x170: {  	_ =	swait.ge @!p0 [sflag:s28], $0x80  }
0x171: {  	[sflag:s28] =	ssyncset.done @!p0 $0x0  }
0x172: {  	[sflag:s28] =	ssyncadd.s32 @!p0 $0xFFFFFF80  }
0x173: {  	[bflag:$0x0] =	sbarrier.arrive $0xFFFF  }
0x174: {  	s23 =	rddreg [dreg:$0x18]  }
0x175: {  	[tilespmem:s31], [sflag:$0x1] =	stream.linear.gather [hbm4b:s23+s5], $0x100, $0x38;
	[tilespmem:$0x1AA00] =	vst v63  }
0x176: {  	s28 =	rddreg [dreg:$0x19]  }
0x177: {  	[tilespmem:s5], [sflag:$0x6] =	stream.linear.gather [hbm4b:s28+s5], $0x80, $0x38;
	[tilespmem:$0x1AA00] =	vst v63  }
0x178: {  	_ =	swait.ge [sflag:s10], $0x80  }
0x179: {  	[sflag:s10] =	ssyncset.done $0x0  }
0x17a: {  	[sflag:s10] =	ssyncadd.s32 $0xFFFFFF80  }
0x17b: {  	_ =	swait.ge [sflag:s8], $0x100  }
0x17c: {  	[sflag:s8] =	ssyncset.done $0x0  }
0x17d: {  	[sflag:s8] =	ssyncadd.s32 $0xFFFFFF00  }
0x17e: {  	v3 =	vld [tilespmem:$0xAB00];
	_ =	sdelay $0x5  }
0x17f: {  	v49 =	vld [tilespmem:$0xAB10];
	_ =	sdelay $0x1  }
0x180: {  	v3 =	vld.idx.msk [tilespmem:v3+s12+$0x0], $0xffff;
	_ =	sdelay $0x3  }
0x181: {  	v50 =	vld [tilespmem:$0xAB20]  }
0x182: {  	[tilespmem:$0xD200] =	vst v3  }
0x183: {  	v3 =	vld.idx.msk [tilespmem:v49+s12+$0x0], $0xffff;
	_ =	sdelay $0x3  }
0x184: {  	v51 =	vld [tilespmem:$0xAB30]  }
0x185: {  	[tilespmem:$0xD210] =	vst v3  }
0x186: {  	v3 =	vld.idx.msk [tilespmem:v50+s12+$0x0], $0xffff;
	_ =	sdelay $0x3  }
0x187: {  	v52 =	vld [tilespmem:$0xAB40]  }
0x188: {  	[tilespmem:$0xD220] =	vst v3  }
0x189: {  	v3 =	vld.idx.msk [tilespmem:v51+s12+$0x0], $0xffff;
	_ =	sdelay $0x3  }
0x18a: {  	v53 =	vld [tilespmem:$0xAB50]  }
0x18b: {  	[tilespmem:$0xD230] =	vst v3  }
0x18c: {  	v3 =	vld.idx.msk [tilespmem:v52+s12+$0x0], $0xffff;
	_ =	sdelay $0x3  }
0x18d: {  	v54 =	vld [tilespmem:$0xAB60]  }
0x18e: {  	[tilespmem:$0xD240] =	vst v3  }
0x18f: {  	v3 =	vld.idx.msk [tilespmem:v53+s12+$0x0], $0xffff;
	_ =	sdelay $0x3  }
0x190: {  	v55 =	vld [tilespmem:$0xAB70]  }
0x191: {  	[tilespmem:$0xD250] =	vst v3  }
0x192: {  	v3 =	vld.idx.msk [tilespmem:v54+s12+$0x0], $0xffff;
	_ =	sdelay $0x3  }
0x193: {  	v56 =	vld [tilespmem:$0xAB80]  }
0x194: {  	[tilespmem:$0xD260] =	vst v3  }
0x195: {  	v3 =	vld.idx.msk [tilespmem:v55+s12+$0x0], $0xffff;
	_ =	sdelay $0x3  }
0x196: {  	v57 =	vld [tilespmem:$0xAB90]  }
0x197: {  	[tilespmem:$0xD270] =	vst v3  }
0x198: {  	v3 =	vld.idx.msk [tilespmem:v56+s12+$0x0], $0xffff;
	_ =	sdelay $0x3  }
0x199: {  	v58 =	vld [tilespmem:$0xABA0]  }
0x19a: {  	[tilespmem:$0xD280] =	vst v3  }
0x19b: {  	v3 =	vld.idx.msk [tilespmem:v57+s12+$0x0], $0xffff;
	_ =	sdelay $0x3  }
0x19c: {  	v59 =	vld [tilespmem:$0xABB0]  }
0x19d: {  	[tilespmem:$0xD290] =	vst v3  }
0x19e: {  	v3 =	vld.idx.msk [tilespmem:v58+s12+$0x0], $0xffff;
	_ =	sdelay $0x3  }
0x19f: {  	v60 =	vld [tilespmem:$0xABC0]  }
0x1a0: {  	[tilespmem:$0xD2A0] =	vst v3  }
0x1a1: {  	v3 =	vld.idx.msk [tilespmem:v59+s12+$0x0], $0xffff;
	_ =	sdelay $0x3  }
0x1a2: {  	v61 =	vld [tilespmem:$0xABD0]  }
0x1a3: {  	[tilespmem:$0xD2B0] =	vst v3  }
0x1a4: {  	v3 =	vld.idx.msk [tilespmem:v60+s12+$0x0], $0xffff;
	_ =	sdelay $0x3  }
0x1a5: {  	v62 =	vld [tilespmem:$0xABE0]  }
0x1a6: {  	[tilespmem:$0xD2C0] =	vst v3  }
0x1a7: {  	v3 =	vld.idx.msk [tilespmem:v61+s12+$0x0], $0xffff;
	_ =	sdelay $0x3  }
0x1a8: {  	v63 =	vld [tilespmem:$0xABF0]  }
0x1a9: {  	[tilespmem:$0xD2D0] =	vst v3  }
0x1aa: {  	v3 =	vld.idx.msk [tilespmem:v62+s12+$0x0], $0xffff;
	_ =	sdelay $0x4  }
0x1ab: {  	[tilespmem:$0xD2E0] =	vst v3  }
0x1ac: {  	v3 =	vld.idx.msk [tilespmem:v63+s12+$0x0], $0xffff;
	_ =	sdelay $0x4  }
0x1ad: {  	[tilespmem:$0xD2F0] =	vst v3  }
0x1ae: {  	[tilespmem:s0], [sflag:$0x2] =	stream.indirect.gather [spmem:s2], $0x80, s16, s13, $0xb8;
	[tilespmem:$0x1AA00] =	vst v63  }
0x1af: {  	_ = 	snop  }
0x1b0: {  	[tilespmem:s14], [sflag:$0x3] =	stream.indirect.gather [spmem:s2], $0x80, s20, s13, $0xb8;
	[tilespmem:$0x1AA00] =	vst v63  }
0x1b1: {  	_ = 	snop  }
0x1b2: {  	[tilespmem:s25], [sflag:$0x4] =	stream.indirect.gather [spmem:s4], $0x1, s16, s13, $0xb8;
	[tilespmem:$0x1AA00] =	vst v63  }
0x1b3: {  	_ = 	snop  }
0x1b4: {  	[tilespmem:s6], [sflag:$0x5] =	stream.indirect.gather [spmem:s4], $0x1, s20, s13, $0xb8;
	[tilespmem:$0x1AA00] =	vst v63  }
0x1b5: {  	_ =	swait.ge [sflag:s15], $0x4000  }
0x1b6: {  	[sflag:s15] =	ssyncset.done $0x0  }
0x1b7: {  	s29 =	rddreg [dreg:$0xd];
	[sflag:s15] =	ssyncadd.s32 $0xFFFFC000  }
0x1b8: {  	[hbm4b:s29+s5] =	stream.linear.scatter [tilespmem:s0], [sflag:$0x6], $0x4000, $0x38;
	[tilespmem:$0x1AA00] =	vst v63  }
0x1b9: {  	_ =	swait.ge [sflag:s10], $0x4000  }
0x1ba: {  	[sflag:s10] =	ssyncset.done $0x0  }
0x1bb: {  	s23 =	rddreg [dreg:$0x7];
	[sflag:s10] =	ssyncadd.s32 $0xFFFFC000  }
0x1bc: {  	[tilespmem:s0], [sflag:$0x2] =	stream.indirect.gather [hbm4b:s23+s13], $0x80, s5, s13, $0xb8;
	[tilespmem:$0x1AA00] =	vst v63  }
0x1bd: {  	_ =	swait.ge [sflag:s19], $0x4000  }
0x1be: {  	[sflag:s19] =	ssyncset.done $0x0  }
0x1bf: {  	s28 =	rddreg [dreg:$0xe];
	[sflag:s19] =	ssyncadd.s32 $0xFFFFC000  }
0x1c0: {  	[hbm4b:s28+s5] =	stream.linear.scatter [tilespmem:s14], [sflag:$0x6], $0x4000, $0x38;
	[tilespmem:$0x1AA00] =	vst v63  }
0x1c1: {  	_ =	swait.ge [sflag:s10], $0x4000  }
0x1c2: {  	[sflag:s10] =	ssyncset.done $0x0  }
0x1c3: {  	[sflag:s10] =	ssyncadd.s32 $0xFFFFC000  }
0x1c4: {  	_ =	swait.ge [sflag:s18], $0x80  }
0x1c5: {  	[sflag:s18] =	ssyncset.done $0x0  }
0x1c6: {  	s29 =	rddreg [dreg:$0x10];
	[sflag:s18] =	ssyncadd.s32 $0xFFFFFF80  }
0x1c7: {  	[hbm4b:s29+s5] =	stream.linear.scatter [tilespmem:s25], [sflag:$0x6], $0x80, $0x38;
	[tilespmem:$0x1AA00] =	vst v63  }
0x1c8: {  	_ =	swait.ge [sflag:s10], $0x80  }
0x1c9: {  	[sflag:s10] =	ssyncset.done $0x0  }
0x1ca: {  	[sflag:s10] =	ssyncadd.s32 $0xFFFFFF80  }
0x1cb: {  	_ =	swait.ge [sflag:s21], $0x80  }
0x1cc: {  	[sflag:s21] =	ssyncset.done $0x0  }
0x1cd: {  	s23 =	rddreg [dreg:$0x11];
	[sflag:s21] =	ssyncadd.s32 $0xFFFFFF80  }
0x1ce: {  	[hbm4b:s23+s5] =	stream.linear.scatter [tilespmem:s6], [sflag:$0x6], $0x80, $0x38;
	[tilespmem:$0x1AA00] =	vst v63  }
0x1cf: {  	_ =	swait.ge [sflag:s10], $0x80  }
0x1d0: {  	[sflag:s10] =	ssyncset.done $0x0  }
0x1d1: {  	[sflag:s10] =	ssyncadd.s32 $0xFFFFFF80  }
0x1d2: {  	_ =	swait.ge [sflag:s15], $0x4000  }
0x1d3: {  	[sflag:s15] =	ssyncset.done $0x0  }
0x1d4: {  	s28 =	rddreg [dreg:$0x12];
	[sflag:s15] =	ssyncadd.s32 $0xFFFFC000  }
0x1d5: {  	[hbm4b:s28+s5] =	stream.linear.scatter [tilespmem:s0], [sflag:$0x6], $0x4000, $0x38;
	[tilespmem:$0x1AA00] =	vst v63  }
0x1d6: {  	_ =	swait.ge [sflag:s10], $0x4000  }
0x1d7: {  	s26 =	sadd.s32 $0x1, s26;
	s29 =	rddreg [dreg:$0x1a]  }
0x1d8: {  	p1 =	sne.s32 s26, s29  }
.Ltmp5:
0x1d9: {  	_ = 	snop;
	(pc) =	sbr.rel @p1 .LBB2_1-.Ltmp5, $3  }
0x1da: {  	_ =	sdelay $0x1  }
0x1db: {  	[sflag:s10] =	ssyncset.done $0x0  }
0x1dc: {  	[sflag:s10] =	ssyncadd.s32 $0xFFFFC000  }
0x1dd: {  	_ =	sfence.sel $0x180000  }
0x1de: {  	[bflag:$0x0] =	sbarrier.arrive $0xFFFF  }
0x1df: {  	_ =	strace $0x90000047  }
0x1e0: {  	s0 =	stileid.u32;
	[bflag:$0x2] =	sbarrier.arrive $0xFFFF  }
0x1e1: {  	p0 =	sne.s32 s0, $0x0;
	s0 =	rddreg [dreg:$0x6]  }
0x1e2: {  	s0 =	sadd.s32 @!p0 $0x100000, s0  }
0x1e3: {  	[sflag:s0] =	ssyncadd.tile.s32 @!p0 $0x1;
	_ =	shalt  }
.Lfunc_end2:
_tile_overlayer_lowered:
.L_overlay_start_2:
0x1e4: {  	(tag) =	ssettag $0x2  }
0x1e5: {  	s0 =	rddreg [dreg:$0x0];
	s2 =	stileid.u32  }
0x1e6: {  	s1 =	rddreg [dreg:$0x1];
	p0 =	sne.s32 s2, $0x0  }
0x1e7: {  	s3 =	rddreg [dreg:$0x2];
	[bflag:$0x3] =	sbarrier.arrive $0xFFFF;
	s2 =	simm.s32 @!p0 $0x1C06  }
0x1e8: {  	[timem:s3], [sflag:s2] =	dma.local @!p0 [hbm:s0], s1  }
0x1e9: {  	s0 =	simm.s32 @!p0 $0x6  }
0x1ea: {  	_ =	swait.ge @!p0 [sflag:s0], s1  }
0x1eb: {  	s1 =	ssub.s32 @!p0 $0x0, s1;
	[sflag:s0] =	ssyncset.done @!p0 $0x0  }
0x1ec: {  	[sflag:s0] =	ssyncadd.s32 @!p0 s1  }
0x1ed: {  	[bflag:$0x3] =	sbarrier.arrive $0xFFFF  }
0x1ee: {  	_ =	shalt  }

</sc_bundles>
